<compile_context>
chip_gen: v7x
topology: tpu7x:2x2x1
jax: 0.10.2.dev20260603
libtpu: 0.0.44.dev20260713+nightly
codegen_flags: <defaults>
</compile_context>

<pallas_src>
import functools

import jax
import jax.numpy as jnp
import ml_dtypes
import numpy as np
from jax import lax
from jax.experimental import pallas as pl
from jax.experimental.pallas import tpu as pltpu
from jax.experimental.pallas import tpu_sc as plsc

SR = 22050
N_FFT = 1024
HOP = 256
AUDIO_DURATION = 30
FIXED_LEN = AUDIO_DURATION * SR // HOP + 1
N_FRAMES = 1 + AUDIO_DURATION * SR // HOP
NK = N_FFT // 2
NF = 88

_BLK_F = 152
_GRID = N_FRAMES // _BLK_F

_ROWS = 2688
_TBL = NF * _ROWS
_NPTS = N_FRAMES * NK
_NCORES = 2
_NSUB = 16
_NW = _NCORES * _NSUB
_NPW = _NPTS // _NW
_TSLICE = _TBL // _NSUB


def _hann_periodic(n):
    k = np.arange(n)
    return (0.5 - 0.5 * np.cos(2.0 * np.pi * k / n)).astype(np.float32)


def _cyc_grad(w):
    wp = np.concatenate([w[-1:], w, w[:1]])
    return np.gradient(wp)[1:-1].astype(np.float32)


def _build_consts():
    win = _hann_periodic(N_FFT).astype(np.float64)
    dwin = _cyc_grad(_hann_periodic(N_FFT)).astype(np.float64)
    t = np.arange(N_FFT, dtype=np.float64)[:, None]
    k = np.arange(NK, dtype=np.float64)[None, :]
    ang = 2.0 * np.pi * t * k / N_FFT
    c, s = np.cos(ang), -np.sin(ang)
    mats = (win[:, None] * c, win[:, None] * s,
            dwin[:, None] * c, dwin[:, None] * s)
    split = []
    for m in mats:
        m32 = m.astype(np.float32)
        hi = m32.astype(ml_dtypes.bfloat16)
        lo = (m32 - hi.astype(np.float32)).astype(ml_dtypes.bfloat16)
        split.append((hi, lo))

    ratio = 1.059463094
    lowest = 27.5
    hz = [lowest * ratio ** i for i in range(89)]
    fb = np.array([(x + y) / 2.0 for x, y in zip([lowest / ratio] + hz, hz)],
                  dtype=np.float64).astype(np.float32)
    a_edge = lowest * (1 + ratio) / (2 * ratio)
    c1 = float(np.float32(1.0 / np.log(ratio)))
    c2 = float(np.float32(np.log(a_edge) / np.log(ratio)))

    tb = np.arange(0.0, AUDIO_DURATION, HOP / SR).astype(np.float32)
    nt = tb.size - 1
    ft = (np.arange(N_FRAMES, dtype=np.float32) * np.float32(HOP / SR))
    ti = np.searchsorted(tb, ft, side="right") - 1
    ti = np.where(ft == tb[-1], nt - 1, ti)
    n = np.arange(N_FRAMES)
    assert np.all((ti == n) | (ti == n - 1))
    ti_col = ti.astype(np.int32)[:, None]
    return tuple(split), fb, c1, c2, ti_col, nt


_MATS, _FB, _C1, _C2, _TI, _NT = _build_consts()
(_CHR_H, _CHR_L), (_CHI_H, _CHI_L), (_CDR_H, _CDR_L), (_CDI_H, _CDI_L) = _MATS
_FB0 = float(_FB[0])
_FB88 = float(_FB[NF])
_FREQ_STEP = float(np.float32(SR / N_FFT))
_CORR_SCALE = float(np.float32(0.5 * SR / np.pi))
_ZEROS_TBL = np.zeros((_TBL,), np.float32)


def _point_body(z0, z1, z2, z3, tirow, chrh, chrl, chih, chil,
                cdrh, cdrl, cdih, cdil, idx_out, val_out):
    frames = jnp.concatenate(
        [z0[...], z1[...], z2[...], z3[...]], axis=1)
    frames = jnp.clip(frames, -1.0, 1.0)
    fh = frames.astype(jnp.bfloat16)
    fl = (frames - fh.astype(jnp.float32)).astype(jnp.bfloat16)

    def mm3(mh, ml):
        d = functools.partial(jnp.dot, preferred_element_type=jnp.float32)
        return d(fh, mh[...]) + (d(fh, ml[...]) + d(fl, mh[...]))

    hr = mm3(chrh, chrl)
    hi = mm3(chih, chil)
    dr = mm3(cdrh, cdrl)
    di = mm3(cdih, cdil)
    mag2 = hr * hr + hi * hi
    w = jnp.sqrt(mag2)
    corr = -(di * hr - dr * hi) / jnp.maximum(mag2, 1e-30) * _CORR_SCALE
    base = jax.lax.broadcasted_iota(
        jnp.int32, (1, NK), 1).astype(jnp.float32) * _FREQ_STEP
    f = jnp.where(mag2 > 0, base + corr, base)

    fi = jnp.floor(jnp.log(jnp.maximum(f, 1e-3)) * _C1 - _C2)
    fi = jnp.clip(fi, 0.0, 87.0).astype(jnp.int32)
    valid = (f >= _FB0) & (f <= _FB88)
    idx_out[...] = fi * _ROWS + tirow[...]
    val_out[...] = jnp.where(valid, w, 0.0)


def _make_sc_scatter(npts):
    npw = npts // _NW
    assert npw * _NW == npts and npw % 8 == 0 and npw >= _TSLICE

    @functools.partial(
        pl.kernel,
        mesh=plsc.VectorSubcoreMesh(core_axis_name="c", subcore_axis_name="s"),
        out_type=jax.ShapeDtypeStruct((_NCORES * _TBL,), jnp.float32),
        scratch_types=[
            pltpu.VMEM((npw,), jnp.int32),
            pltpu.VMEM((npw,), jnp.float32),
            pltpu.VMEM_SHARED((_TBL,), jnp.float32),
            pltpu.SemaphoreType.DMA,
        ],
    )
    def sc_scatter(idx_hbm, val_hbm, zeros_hbm, out_hbm,
                   idx_v, val_v, tbl, sem):
        c = lax.axis_index("c")
        s = lax.axis_index("s")
        wid = s * _NCORES + c
        stage = val_v.at[pl.ds(0, _TSLICE)]
        pltpu.sync_copy(zeros_hbm.at[pl.ds(s * _TSLICE, _TSLICE)], stage)
        pltpu.sync_copy(stage, tbl.at[pl.ds(s * _TSLICE, _TSLICE)])
        plsc.subcore_barrier()
        base = wid * npw
        pltpu.sync_copy(idx_hbm.at[pl.ds(base, npw)], idx_v)
        pltpu.sync_copy(val_hbm.at[pl.ds(base, npw)], val_v)
        pltpu.sync_copy(val_v, tbl.at[idx_v], add=True)
        plsc.subcore_barrier()
        pltpu.sync_copy(tbl.at[pl.ds(s * _TSLICE, _TSLICE)], stage)
        pltpu.sync_copy(stage,
                        out_hbm.at[pl.ds(c * _TBL + s * _TSLICE, _TSLICE)])

    return sc_scatter


_F_HALF1 = 1368
_F_HALF2 = N_FRAMES - _F_HALF1
_SC_SCATTER1 = _make_sc_scatter(_F_HALF1 * NK)
_SC_SCATTER2 = _make_sc_scatter(_F_HALF2 * NK)


def _merge_body(t1, t2, out):
    x1 = t1[...]
    x2 = t2[...]
    h = x1[0] + x1[1] + x2[0] + x2[1]
    m = h[:, 0:_NT]
    scale = 1.0 / jnp.maximum(jnp.max(m), 1e-12)
    out[...] = jnp.concatenate([m, m[:, _NT - 1:_NT]], axis=1) * scale


@jax.jit
def kernel(waveform):
    pad = N_FFT // 2
    ypad = jnp.pad(waveform, (pad, pad + 4))
    z = ypad.reshape(-1, 256)
    z0 = z[0:N_FRAMES]
    z1 = z[1:N_FRAMES + 1]
    z2 = z[2:N_FRAMES + 2]
    z3 = z[3:N_FRAMES + 3]

    zspec = pl.BlockSpec((_BLK_F, 256), lambda i: (i, 0))
    tspec = pl.BlockSpec((_BLK_F, 1), lambda i: (i, 0))
    mspec = pl.BlockSpec((N_FFT, NK), lambda i: (0, 0))

    def tc_points(lo, nf_half):
        return pl.pallas_call(
            _point_body,
            grid=(nf_half // _BLK_F,),
            in_specs=[zspec, zspec, zspec, zspec, tspec] + [mspec] * 8,
            out_specs=[pl.BlockSpec((_BLK_F, NK), lambda i: (i, 0)),
                       pl.BlockSpec((_BLK_F, NK), lambda i: (i, 0))],
            out_shape=[jax.ShapeDtypeStruct((nf_half, NK), jnp.int32),
                       jax.ShapeDtypeStruct((nf_half, NK), jnp.float32)],
        )(z0[lo:lo + nf_half], z1[lo:lo + nf_half], z2[lo:lo + nf_half],
          z3[lo:lo + nf_half], _TI[lo:lo + nf_half],
          _CHR_H, _CHR_L, _CHI_H, _CHI_L, _CDR_H, _CDR_L, _CDI_H, _CDI_L)

    idx1, val1 = tc_points(0, _F_HALF1)
    tbl1 = _SC_SCATTER1(idx1.reshape(-1), val1.reshape(-1), _ZEROS_TBL)
    idx2, val2 = tc_points(_F_HALF1, _F_HALF2)
    tbl2 = _SC_SCATTER2(idx2.reshape(-1), val2.reshape(-1), _ZEROS_TBL)

    out = pl.pallas_call(
        _merge_body,
        in_specs=[pl.BlockSpec((_NCORES, NF, _ROWS), lambda: (0, 0, 0)),
                  pl.BlockSpec((_NCORES, NF, _ROWS), lambda: (0, 0, 0))],
        out_specs=pl.BlockSpec((NF, FIXED_LEN), lambda: (0, 0)),
        out_shape=jax.ShapeDtypeStruct((NF, FIXED_LEN), jnp.float32),
    )(tbl1.reshape(_NCORES, NF, _ROWS), tbl2.reshape(_NCORES, NF, _ROWS))
    return out

# --- scband reference (transcript-rebuilt; emitter-appended) ---
"""Pipeline reference for scband-reassigned-12876311953633 (READ-ONLY COPY).

The authoritative reference and input builder live on the scoring server;
editing this copy changes nothing except your own understanding.
"""

import jax, jax.numpy as jnp
import numpy as np

SR = 22050
AUDIO_DURATION = 30
N_FFT = 1024
WIN_LENGTH = 1024
HOP = 256
INTERVAL = HOP / SR
FIXED_LEN = AUDIO_DURATION * SR // HOP + 1  # 2584


def _hann_periodic(n):
    k = np.arange(n)
    return (0.5 - 0.5 * np.cos(2.0 * np.pi * k / n)).astype(np.float32)


def _cyclic_gradient(w):
    wp = np.concatenate([w[-1:], w, w[:1]])
    return np.gradient(wp)[1:-1].astype(np.float32)


def _piano_freq_bins():
    ratio = 1.059463094
    lowest = 27.5
    hz = [lowest * ratio ** i for i in range(89)]
    return np.array([(x + y) / 2.0 for x, y in zip([lowest / ratio] + hz, hz)], dtype=np.float64)


def setup_inputs(seed: int = 0) -> dict:
    key = jax.random.key(seed)
    waveform = jax.random.normal(key, (AUDIO_DURATION * SR,), dtype=jnp.float32)
    return {"waveform": waveform}


def _forward(waveform):
    y = waveform
    if y.ndim > 1:  # Mono()
        y = jnp.mean(y, axis=0)
    y = jnp.clip(y, -1.0, 1.0)  # Clamp.one()

    window = jnp.asarray(_hann_periodic(WIN_LENGTH))
    dwindow = jnp.asarray(_cyclic_gradient(_hann_periodic(WIN_LENGTH)))

    pad = N_FFT // 2
    ypad = jnp.pad(y, (pad, pad))
    n_frames = 1 + y.shape[0] // HOP
    idx = jnp.arange(n_frames)[:, None] * HOP + jnp.arange(N_FFT)[None, :]
    frames = ypad[idx]  # (n_frames, n_fft) gather

    S_h = jnp.fft.rfft(frames * window[None, :], axis=1)
    S_dh = jnp.fft.rfft(frames * dwindow[None, :], axis=1)

    mag = jnp.abs(S_h)
    mag2 = S_h.real ** 2 + S_h.imag ** 2
    fft_freqs = jnp.asarray(np.fft.rfftfreq(N_FFT, d=1.0 / SR).astype(np.float32))
    corr = -(S_dh * jnp.conj(S_h)).imag / jnp.maximum(mag2, 1e-30) * (0.5 * SR / np.pi)
    freqs = fft_freqs[None, :] + corr
    freqs = jnp.where(mag2 > 0, freqs, fft_freqs[None, :])  # fill_nan=True

    frame_times = jnp.arange(n_frames, dtype=jnp.float32) * (HOP / SR)  # reassign_times=False
    times = jnp.broadcast_to(frame_times[:, None], S_h.shape)

    tb = jnp.asarray(np.arange(0.0, AUDIO_DURATION, INTERVAL).astype(np.float32))
    fb = jnp.asarray(_piano_freq_bins().astype(np.float32))
    nt = tb.shape[0] - 1
    nf = fb.shape[0] - 1

    t = times.reshape(-1)
    f = freqs.reshape(-1)
    w = mag.reshape(-1)

    ti = jnp.searchsorted(tb, t, side='right') - 1
    fi = jnp.searchsorted(fb, f, side='right') - 1
    ti = jnp.where(t == tb[-1], nt - 1, ti)  # rightmost edge inclusive
    fi = jnp.where(f == fb[-1], nf - 1, fi)
    valid = (ti >= 0) & (ti <= nt - 1) & (fi >= 0) & (fi <= nf - 1)
    lin = jnp.where(valid, ti * nf + fi, 0)
    wv = jnp.where(valid, w, 0.0)
    h = jnp.zeros(nt * nf, dtype=jnp.float32).at[lin].add(wv).reshape(nt, nf)

    h = h.T  # (n_freq_bins=88, n_time_bins)

    # TrimOrPad(target_length=FIXED_LEN, mode='replicate') along time axis
    T = h.shape[1]
    if T >= FIXED_LEN:
        h = h[:, :FIXED_LEN]
    else:
        h = jnp.pad(h, ((0, 0), (0, FIXED_LEN - T)), mode='edge')

    # Scale.one(): normalize to [0, 1]
    h = h / jnp.maximum(jnp.max(h), 1e-12)
    return h


def reference(waveform):
    return _forward(waveform)

if __name__ == "__main__":
    import jax
    _d = setup_inputs()
    print(jax.jit(kernel)(*tuple(_d.values())))

</pallas_src>

<mosaic_0001>
#map = affine_map<(d0, d1) -> (0)>
module attributes {stable_mosaic.version = 14 : i64} {
  func.func @sc_scatter(%arg0: i32, %arg1: i32, %arg2: memref<622592xi32, #tpu.memory_space<hbm>>, %arg3: memref<622592xf32, #tpu.memory_space<hbm>>, %arg4: memref<236544xf32, #tpu.memory_space<hbm>>, %arg5: memref<473088xf32, #tpu.memory_space<hbm>>, %arg6: memref<19456xi32, #tpu.memory_space<vmem>>, %arg7: memref<19456xf32, #tpu.memory_space<vmem>>, %arg8: memref<236544xf32, #tpu.memory_space<vmem_shared>>, %arg9: memref<!tpu.dma_semaphore, #tpu.memory_space<semaphore_mem>>) attributes {dimension_semantics = [#tpu.dimension_semantics<core_parallel>, #tpu.dimension_semantics<subcore_parallel>], iteration_bounds = array<i64: 2, 16>, scalar_prefetch = 0 : i64, scratch_operands = 4 : i64, tpu.core_type = #tpu.core_type<sc_vector_subcore>, window_params = [{transform_indices = #map}, {transform_indices = #map}, {transform_indices = #map}, {transform_indices = #map}]} {
    %mul3A = arith.constant 2 : i32
    %mul3A_0 = arith.muli %arg1, %mul3A : i32
    %add3A = arith.addi %mul3A_0, %arg0 : i32
    %mul3A_1 = arith.constant 14784 : i32
    %mul3A_2 = arith.muli %arg1, %mul3A_1 : i32
    "tpu.region"() ({
      %run_scoped3A = tpu.sem_alloc : memref<!tpu.dma_semaphore, #tpu.memory_space<semaphore_mem>>
      %dma_start3A = arith.constant 0 : i32
      %dma_start3A_15 = tpu.memref_slice %arg7[%dma_start3A] : memref<19456xf32, #tpu.memory_space<vmem>> -> memref<14784xf32, #tpu.memory_space<vmem>>
      %dma_start3A_16 = tpu.memref_slice %arg4[%mul3A_2] : memref<236544xf32, #tpu.memory_space<hbm>> -> memref<14784xf32, #tpu.memory_space<hbm>>
      %dma_start3A_17 = arith.constant 0 : i32
      %dma_start3A_18 = tpu.memref_slice %arg7[%dma_start3A_17] : memref<19456xf32, #tpu.memory_space<vmem>> -> memref<14784xf32, #tpu.memory_space<vmem>>
      %dma_start3A_19 = tpu.memref_slice %arg4[%mul3A_2] : memref<236544xf32, #tpu.memory_space<hbm>> -> memref<14784xf32, #tpu.memory_space<hbm>>
      tpu.enqueue_dma source(%dma_start3A_19 : memref<14784xf32, #tpu.memory_space<hbm>>) target(%dma_start3A_18 : memref<14784xf32, #tpu.memory_space<vmem>>) target_semaphore(%run_scoped3A : memref<!tpu.dma_semaphore, #tpu.memory_space<semaphore_mem>>)
      %dma_wait3A = arith.constant 0 : i32
      %dma_wait3A_20 = tpu.memref_slice %arg7[%dma_wait3A] : memref<19456xf32, #tpu.memory_space<vmem>> -> memref<14784xf32, #tpu.memory_space<vmem>>
      %dma_wait3A_21 = tpu.memref_slice %arg4[%mul3A_2] : memref<236544xf32, #tpu.memory_space<hbm>> -> memref<14784xf32, #tpu.memory_space<hbm>>
      %dma_wait3A_22 = arith.constant 0 : i32
      %dma_wait3A_23 = tpu.memref_slice %arg7[%dma_wait3A_22] : memref<19456xf32, #tpu.memory_space<vmem>> -> memref<14784xf32, #tpu.memory_space<vmem>>
      %dma_wait3A_24 = tpu.memref_slice %arg4[%mul3A_2] : memref<236544xf32, #tpu.memory_space<hbm>> -> memref<14784xf32, #tpu.memory_space<hbm>>
      tpu.wait_dma2 semaphore(%run_scoped3A : memref<!tpu.dma_semaphore, #tpu.memory_space<semaphore_mem>>) src(%dma_wait3A_24 : memref<14784xf32, #tpu.memory_space<hbm>>) dst(%dma_wait3A_23 : memref<14784xf32, #tpu.memory_space<vmem>>)
      tpu.yield
    }) : () -> ()
    %mul3A_3 = arith.constant 14784 : i32
    %mul3A_4 = arith.muli %arg1, %mul3A_3 : i32
    "tpu.region"() ({
      %run_scoped3A = tpu.sem_alloc : memref<!tpu.dma_semaphore, #tpu.memory_space<semaphore_mem>>
      %dma_start3A = arith.constant 0 : i32
      %dma_start3A_15 = tpu.memref_slice %arg7[%dma_start3A] : memref<19456xf32, #tpu.memory_space<vmem>> -> memref<14784xf32, #tpu.memory_space<vmem>>
      %dma_start3A_16 = tpu.memref_slice %arg8[%mul3A_4] : memref<236544xf32, #tpu.memory_space<vmem_shared>> -> memref<14784xf32, #tpu.memory_space<vmem_shared>>
      %dma_start3A_17 = tpu.memref_slice %arg8[%mul3A_4] : memref<236544xf32, #tpu.memory_space<vmem_shared>> -> memref<14784xf32, #tpu.memory_space<vmem_shared>>
      %dma_start3A_18 = arith.constant 0 : i32
      %dma_start3A_19 = tpu.memref_slice %arg7[%dma_start3A_18] : memref<19456xf32, #tpu.memory_space<vmem>> -> memref<14784xf32, #tpu.memory_space<vmem>>
      tpu.enqueue_dma source(%dma_start3A_19 : memref<14784xf32, #tpu.memory_space<vmem>>) target(%dma_start3A_17 : memref<14784xf32, #tpu.memory_space<vmem_shared>>) target_semaphore(%run_scoped3A : memref<!tpu.dma_semaphore, #tpu.memory_space<semaphore_mem>>)
      %dma_wait3A = arith.constant 0 : i32
      %dma_wait3A_20 = tpu.memref_slice %arg7[%dma_wait3A] : memref<19456xf32, #tpu.memory_space<vmem>> -> memref<14784xf32, #tpu.memory_space<vmem>>
      %dma_wait3A_21 = tpu.memref_slice %arg8[%mul3A_4] : memref<236544xf32, #tpu.memory_space<vmem_shared>> -> memref<14784xf32, #tpu.memory_space<vmem_shared>>
      %dma_wait3A_22 = tpu.memref_slice %arg8[%mul3A_4] : memref<236544xf32, #tpu.memory_space<vmem_shared>> -> memref<14784xf32, #tpu.memory_space<vmem_shared>>
      %dma_wait3A_23 = arith.constant 0 : i32
      %dma_wait3A_24 = tpu.memref_slice %arg7[%dma_wait3A_23] : memref<19456xf32, #tpu.memory_space<vmem>> -> memref<14784xf32, #tpu.memory_space<vmem>>
      tpu.wait_dma2 semaphore(%run_scoped3A : memref<!tpu.dma_semaphore, #tpu.memory_space<semaphore_mem>>) src(%dma_wait3A_24 : memref<14784xf32, #tpu.memory_space<vmem>>) dst(%dma_wait3A_22 : memref<14784xf32, #tpu.memory_space<vmem_shared>>)
      tpu.yield
    }) : () -> ()
    %barrier3A = arith.constant 0 : index
    tpu.barrier barrier_id(%barrier3A)
    %mul3A_5 = arith.constant 19456 : i32
    %mul3A_6 = arith.muli %add3A, %mul3A_5 : i32
    "tpu.region"() ({
      %run_scoped3A = tpu.sem_alloc : memref<!tpu.dma_semaphore, #tpu.memory_space<semaphore_mem>>
      %dma_start3A = tpu.memref_slice %arg2[%mul3A_6] : memref<622592xi32, #tpu.memory_space<hbm>> -> memref<19456xi32, #tpu.memory_space<hbm>>
      %dma_start3A_15 = tpu.memref_slice %arg2[%mul3A_6] : memref<622592xi32, #tpu.memory_space<hbm>> -> memref<19456xi32, #tpu.memory_space<hbm>>
      tpu.enqueue_dma source(%dma_start3A_15 : memref<19456xi32, #tpu.memory_space<hbm>>) target(%arg6 : memref<19456xi32, #tpu.memory_space<vmem>>) target_semaphore(%run_scoped3A : memref<!tpu.dma_semaphore, #tpu.memory_space<semaphore_mem>>)
      %dma_wait3A = tpu.memref_slice %arg2[%mul3A_6] : memref<622592xi32, #tpu.memory_space<hbm>> -> memref<19456xi32, #tpu.memory_space<hbm>>
      %dma_wait3A_16 = tpu.memref_slice %arg2[%mul3A_6] : memref<622592xi32, #tpu.memory_space<hbm>> -> memref<19456xi32, #tpu.memory_space<hbm>>
      tpu.wait_dma2 semaphore(%run_scoped3A : memref<!tpu.dma_semaphore, #tpu.memory_space<semaphore_mem>>) src(%dma_wait3A_16 : memref<19456xi32, #tpu.memory_space<hbm>>) dst(%arg6 : memref<19456xi32, #tpu.memory_space<vmem>>)
      tpu.yield
    }) : () -> ()
    "tpu.region"() ({
      %run_scoped3A = tpu.sem_alloc : memref<!tpu.dma_semaphore, #tpu.memory_space<semaphore_mem>>
      %dma_start3A = tpu.memref_slice %arg3[%mul3A_6] : memref<622592xf32, #tpu.memory_space<hbm>> -> memref<19456xf32, #tpu.memory_space<hbm>>
      %dma_start3A_15 = tpu.memref_slice %arg3[%mul3A_6] : memref<622592xf32, #tpu.memory_space<hbm>> -> memref<19456xf32, #tpu.memory_space<hbm>>
      tpu.enqueue_dma source(%dma_start3A_15 : memref<19456xf32, #tpu.memory_space<hbm>>) target(%arg7 : memref<19456xf32, #tpu.memory_space<vmem>>) target_semaphore(%run_scoped3A : memref<!tpu.dma_semaphore, #tpu.memory_space<semaphore_mem>>)
      %dma_wait3A = tpu.memref_slice %arg3[%mul3A_6] : memref<622592xf32, #tpu.memory_space<hbm>> -> memref<19456xf32, #tpu.memory_space<hbm>>
      %dma_wait3A_16 = tpu.memref_slice %arg3[%mul3A_6] : memref<622592xf32, #tpu.memory_space<hbm>> -> memref<19456xf32, #tpu.memory_space<hbm>>
      tpu.wait_dma2 semaphore(%run_scoped3A : memref<!tpu.dma_semaphore, #tpu.memory_space<semaphore_mem>>) src(%dma_wait3A_16 : memref<19456xf32, #tpu.memory_space<hbm>>) dst(%arg7 : memref<19456xf32, #tpu.memory_space<vmem>>)
      tpu.yield
    }) : () -> ()
    "tpu.region"() ({
      %run_scoped3A = tpu.sem_alloc : memref<!tpu.dma_semaphore, #tpu.memory_space<semaphore_mem>>
      %dma_start3A = arith.constant 0 : i32
      %dma_start3A_15 = tpu.memref_slice %arg8[%dma_start3A] : memref<236544xf32, #tpu.memory_space<vmem_shared>> -> memref<236544xf32, #tpu.memory_space<vmem_shared>>
      tpu.enqueue_indirect_dma source(%arg7 : memref<19456xf32, #tpu.memory_space<vmem>>) target(%dma_start3A_15 : memref<236544xf32, #tpu.memory_space<vmem_shared>>) offsets(%arg6 : memref<19456xi32, #tpu.memory_space<vmem>>) semaphore(%run_scoped3A : memref<!tpu.dma_semaphore, #tpu.memory_space<semaphore_mem>>) {add = true}
      %dma_wait3A = arith.constant 0 : i32
      %dma_wait3A_16 = tpu.memref_slice %arg8[%dma_wait3A] : memref<236544xf32, #tpu.memory_space<vmem_shared>> -> memref<236544xf32, #tpu.memory_space<vmem_shared>>
      tpu.wait_indirect_dma semaphore(%run_scoped3A : memref<!tpu.dma_semaphore, #tpu.memory_space<semaphore_mem>>) src(%arg7 : memref<19456xf32, #tpu.memory_space<vmem>>) dst(%dma_wait3A_16 : memref<236544xf32, #tpu.memory_space<vmem_shared>>)
      tpu.yield
    }) : () -> ()
    %barrier3A_7 = arith.constant 0 : index
    tpu.barrier barrier_id(%barrier3A_7)
    %mul3A_8 = arith.constant 14784 : i32
    %mul3A_9 = arith.muli %arg1, %mul3A_8 : i32
    "tpu.region"() ({
      %run_scoped3A = tpu.sem_alloc : memref<!tpu.dma_semaphore, #tpu.memory_space<semaphore_mem>>
      %dma_start3A = arith.constant 0 : i32
      %dma_start3A_15 = tpu.memref_slice %arg7[%dma_start3A] : memref<19456xf32, #tpu.memory_space<vmem>> -> memref<14784xf32, #tpu.memory_space<vmem>>
      %dma_start3A_16 = tpu.memref_slice %arg8[%mul3A_9] : memref<236544xf32, #tpu.memory_space<vmem_shared>> -> memref<14784xf32, #tpu.memory_space<vmem_shared>>
      %dma_start3A_17 = arith.constant 0 : i32
      %dma_start3A_18 = tpu.memref_slice %arg7[%dma_start3A_17] : memref<19456xf32, #tpu.memory_space<vmem>> -> memref<14784xf32, #tpu.memory_space<vmem>>
      %dma_start3A_19 = tpu.memref_slice %arg8[%mul3A_9] : memref<236544xf32, #tpu.memory_space<vmem_shared>> -> memref<14784xf32, #tpu.memory_space<vmem_shared>>
      tpu.enqueue_dma source(%dma_start3A_19 : memref<14784xf32, #tpu.memory_space<vmem_shared>>) target(%dma_start3A_18 : memref<14784xf32, #tpu.memory_space<vmem>>) target_semaphore(%run_scoped3A : memref<!tpu.dma_semaphore, #tpu.memory_space<semaphore_mem>>)
      %dma_wait3A = arith.constant 0 : i32
      %dma_wait3A_20 = tpu.memref_slice %arg7[%dma_wait3A] : memref<19456xf32, #tpu.memory_space<vmem>> -> memref<14784xf32, #tpu.memory_space<vmem>>
      %dma_wait3A_21 = tpu.memref_slice %arg8[%mul3A_9] : memref<236544xf32, #tpu.memory_space<vmem_shared>> -> memref<14784xf32, #tpu.memory_space<vmem_shared>>
      %dma_wait3A_22 = arith.constant 0 : i32
      %dma_wait3A_23 = tpu.memref_slice %arg7[%dma_wait3A_22] : memref<19456xf32, #tpu.memory_space<vmem>> -> memref<14784xf32, #tpu.memory_space<vmem>>
      %dma_wait3A_24 = tpu.memref_slice %arg8[%mul3A_9] : memref<236544xf32, #tpu.memory_space<vmem_shared>> -> memref<14784xf32, #tpu.memory_space<vmem_shared>>
      tpu.wait_dma2 semaphore(%run_scoped3A : memref<!tpu.dma_semaphore, #tpu.memory_space<semaphore_mem>>) src(%dma_wait3A_24 : memref<14784xf32, #tpu.memory_space<vmem_shared>>) dst(%dma_wait3A_23 : memref<14784xf32, #tpu.memory_space<vmem>>)
      tpu.yield
    }) : () -> ()
    %mul3A_10 = arith.constant 236544 : i32
    %mul3A_11 = arith.muli %arg0, %mul3A_10 : i32
    %mul3A_12 = arith.constant 14784 : i32
    %mul3A_13 = arith.muli %arg1, %mul3A_12 : i32
    %add3A_14 = arith.addi %mul3A_11, %mul3A_13 : i32
    "tpu.region"() ({
      %run_scoped3A = tpu.sem_alloc : memref<!tpu.dma_semaphore, #tpu.memory_space<semaphore_mem>>
      %dma_start3A = arith.constant 0 : i32
      %dma_start3A_15 = tpu.memref_slice %arg7[%dma_start3A] : memref<19456xf32, #tpu.memory_space<vmem>> -> memref<14784xf32, #tpu.memory_space<vmem>>
      %dma_start3A_16 = tpu.memref_slice %arg5[%add3A_14] : memref<473088xf32, #tpu.memory_space<hbm>> -> memref<14784xf32, #tpu.memory_space<hbm>>
      %dma_start3A_17 = tpu.memref_slice %arg5[%add3A_14] : memref<473088xf32, #tpu.memory_space<hbm>> -> memref<14784xf32, #tpu.memory_space<hbm>>
      %dma_start3A_18 = arith.constant 0 : i32
      %dma_start3A_19 = tpu.memref_slice %arg7[%dma_start3A_18] : memref<19456xf32, #tpu.memory_space<vmem>> -> memref<14784xf32, #tpu.memory_space<vmem>>
      tpu.enqueue_dma source(%dma_start3A_19 : memref<14784xf32, #tpu.memory_space<vmem>>) target(%dma_start3A_17 : memref<14784xf32, #tpu.memory_space<hbm>>) target_semaphore(%run_scoped3A : memref<!tpu.dma_semaphore, #tpu.memory_space<semaphore_mem>>)
      %dma_wait3A = arith.constant 0 : i32
      %dma_wait3A_20 = tpu.memref_slice %arg7[%dma_wait3A] : memref<19456xf32, #tpu.memory_space<vmem>> -> memref<14784xf32, #tpu.memory_space<vmem>>
      %dma_wait3A_21 = tpu.memref_slice %arg5[%add3A_14] : memref<473088xf32, #tpu.memory_space<hbm>> -> memref<14784xf32, #tpu.memory_space<hbm>>
      %dma_wait3A_22 = tpu.memref_slice %arg5[%add3A_14] : memref<473088xf32, #tpu.memory_space<hbm>> -> memref<14784xf32, #tpu.memory_space<hbm>>
      %dma_wait3A_23 = arith.constant 0 : i32
      %dma_wait3A_24 = tpu.memref_slice %arg7[%dma_wait3A_23] : memref<19456xf32, #tpu.memory_space<vmem>> -> memref<14784xf32, #tpu.memory_space<vmem>>
      tpu.wait_dma2 semaphore(%run_scoped3A : memref<!tpu.dma_semaphore, #tpu.memory_space<semaphore_mem>>) src(%dma_wait3A_24 : memref<14784xf32, #tpu.memory_space<vmem>>) dst(%dma_wait3A_22 : memref<14784xf32, #tpu.memory_space<hbm>>)
      tpu.yield
    }) : () -> ()
    return
  }
}

#map = affine_map<(d0, d1) -> (0)>
module attributes {stable_mosaic.version = 14 : i64} {
  func.func @sc_scatter(%arg0: i32, %arg1: i32, %arg2: memref<700416xi32, #tpu.memory_space<hbm>>, %arg3: memref<700416xf32, #tpu.memory_space<hbm>>, %arg4: memref<236544xf32, #tpu.memory_space<hbm>>, %arg5: memref<473088xf32, #tpu.memory_space<hbm>>, %arg6: memref<21888xi32, #tpu.memory_space<vmem>>, %arg7: memref<21888xf32, #tpu.memory_space<vmem>>, %arg8: memref<236544xf32, #tpu.memory_space<vmem_shared>>, %arg9: memref<!tpu.dma_semaphore, #tpu.memory_space<semaphore_mem>>) attributes {dimension_semantics = [#tpu.dimension_semantics<core_parallel>, #tpu.dimension_semantics<subcore_parallel>], iteration_bounds = array<i64: 2, 16>, scalar_prefetch = 0 : i64, scratch_operands = 4 : i64, tpu.core_type = #tpu.core_type<sc_vector_subcore>, window_params = [{transform_indices = #map}, {transform_indices = #map}, {transform_indices = #map}, {transform_indices = #map}]} {
    %mul3A = arith.constant 2 : i32
    %mul3A_0 = arith.muli %arg1, %mul3A : i32
    %add3A = arith.addi %mul3A_0, %arg0 : i32
    %mul3A_1 = arith.constant 14784 : i32
    %mul3A_2 = arith.muli %arg1, %mul3A_1 : i32
    "tpu.region"() ({
      %run_scoped3A = tpu.sem_alloc : memref<!tpu.dma_semaphore, #tpu.memory_space<semaphore_mem>>
      %dma_start3A = arith.constant 0 : i32
      %dma_start3A_15 = tpu.memref_slice %arg7[%dma_start3A] : memref<21888xf32, #tpu.memory_space<vmem>> -> memref<14784xf32, #tpu.memory_space<vmem>>
      %dma_start3A_16 = tpu.memref_slice %arg4[%mul3A_2] : memref<236544xf32, #tpu.memory_space<hbm>> -> memref<14784xf32, #tpu.memory_space<hbm>>
      %dma_start3A_17 = arith.constant 0 : i32
      %dma_start3A_18 = tpu.memref_slice %arg7[%dma_start3A_17] : memref<21888xf32, #tpu.memory_space<vmem>> -> memref<14784xf32, #tpu.memory_space<vmem>>
      %dma_start3A_19 = tpu.memref_slice %arg4[%mul3A_2] : memref<236544xf32, #tpu.memory_space<hbm>> -> memref<14784xf32, #tpu.memory_space<hbm>>
      tpu.enqueue_dma source(%dma_start3A_19 : memref<14784xf32, #tpu.memory_space<hbm>>) target(%dma_start3A_18 : memref<14784xf32, #tpu.memory_space<vmem>>) target_semaphore(%run_scoped3A : memref<!tpu.dma_semaphore, #tpu.memory_space<semaphore_mem>>)
      %dma_wait3A = arith.constant 0 : i32
      %dma_wait3A_20 = tpu.memref_slice %arg7[%dma_wait3A] : memref<21888xf32, #tpu.memory_space<vmem>> -> memref<14784xf32, #tpu.memory_space<vmem>>
      %dma_wait3A_21 = tpu.memref_slice %arg4[%mul3A_2] : memref<236544xf32, #tpu.memory_space<hbm>> -> memref<14784xf32, #tpu.memory_space<hbm>>
      %dma_wait3A_22 = arith.constant 0 : i32
      %dma_wait3A_23 = tpu.memref_slice %arg7[%dma_wait3A_22] : memref<21888xf32, #tpu.memory_space<vmem>> -> memref<14784xf32, #tpu.memory_space<vmem>>
      %dma_wait3A_24 = tpu.memref_slice %arg4[%mul3A_2] : memref<236544xf32, #tpu.memory_space<hbm>> -> memref<14784xf32, #tpu.memory_space<hbm>>
      tpu.wait_dma2 semaphore(%run_scoped3A : memref<!tpu.dma_semaphore, #tpu.memory_space<semaphore_mem>>) src(%dma_wait3A_24 : memref<14784xf32, #tpu.memory_space<hbm>>) dst(%dma_wait3A_23 : memref<14784xf32, #tpu.memory_space<vmem>>)
      tpu.yield
    }) : () -> ()
    %mul3A_3 = arith.constant 14784 : i32
    %mul3A_4 = arith.muli %arg1, %mul3A_3 : i32
    "tpu.region"() ({
      %run_scoped3A = tpu.sem_alloc : memref<!tpu.dma_semaphore, #tpu.memory_space<semaphore_mem>>
      %dma_start3A = arith.constant 0 : i32
      %dma_start3A_15 = tpu.memref_slice %arg7[%dma_start3A] : memref<21888xf32, #tpu.memory_space<vmem>> -> memref<14784xf32, #tpu.memory_space<vmem>>
      %dma_start3A_16 = tpu.memref_slice %arg8[%mul3A_4] : memref<236544xf32, #tpu.memory_space<vmem_shared>> -> memref<14784xf32, #tpu.memory_space<vmem_shared>>
      %dma_start3A_17 = tpu.memref_slice %arg8[%mul3A_4] : memref<236544xf32, #tpu.memory_space<vmem_shared>> -> memref<14784xf32, #tpu.memory_space<vmem_shared>>
      %dma_start3A_18 = arith.constant 0 : i32
      %dma_start3A_19 = tpu.memref_slice %arg7[%dma_start3A_18] : memref<21888xf32, #tpu.memory_space<vmem>> -> memref<14784xf32, #tpu.memory_space<vmem>>
      tpu.enqueue_dma source(%dma_start3A_19 : memref<14784xf32, #tpu.memory_space<vmem>>) target(%dma_start3A_17 : memref<14784xf32, #tpu.memory_space<vmem_shared>>) target_semaphore(%run_scoped3A : memref<!tpu.dma_semaphore, #tpu.memory_space<semaphore_mem>>)
      %dma_wait3A = arith.constant 0 : i32
      %dma_wait3A_20 = tpu.memref_slice %arg7[%dma_wait3A] : memref<21888xf32, #tpu.memory_space<vmem>> -> memref<14784xf32, #tpu.memory_space<vmem>>
      %dma_wait3A_21 = tpu.memref_slice %arg8[%mul3A_4] : memref<236544xf32, #tpu.memory_space<vmem_shared>> -> memref<14784xf32, #tpu.memory_space<vmem_shared>>
      %dma_wait3A_22 = tpu.memref_slice %arg8[%mul3A_4] : memref<236544xf32, #tpu.memory_space<vmem_shared>> -> memref<14784xf32, #tpu.memory_space<vmem_shared>>
      %dma_wait3A_23 = arith.constant 0 : i32
      %dma_wait3A_24 = tpu.memref_slice %arg7[%dma_wait3A_23] : memref<21888xf32, #tpu.memory_space<vmem>> -> memref<14784xf32, #tpu.memory_space<vmem>>
      tpu.wait_dma2 semaphore(%run_scoped3A : memref<!tpu.dma_semaphore, #tpu.memory_space<semaphore_mem>>) src(%dma_wait3A_24 : memref<14784xf32, #tpu.memory_space<vmem>>) dst(%dma_wait3A_22 : memref<14784xf32, #tpu.memory_space<vmem_shared>>)
      tpu.yield
    }) : () -> ()
    %barrier3A = arith.constant 0 : index
    tpu.barrier barrier_id(%barrier3A)
    %mul3A_5 = arith.constant 21888 : i32
    %mul3A_6 = arith.muli %add3A, %mul3A_5 : i32
    "tpu.region"() ({
      %run_scoped3A = tpu.sem_alloc : memref<!tpu.dma_semaphore, #tpu.memory_space<semaphore_mem>>
      %dma_start3A = tpu.memref_slice %arg2[%mul3A_6] : memref<700416xi32, #tpu.memory_space<hbm>> -> memref<21888xi32, #tpu.memory_space<hbm>>
      %dma_start3A_15 = tpu.memref_slice %arg2[%mul3A_6] : memref<700416xi32, #tpu.memory_space<hbm>> -> memref<21888xi32, #tpu.memory_space<hbm>>
      tpu.enqueue_dma source(%dma_start3A_15 : memref<21888xi32, #tpu.memory_space<hbm>>) target(%arg6 : memref<21888xi32, #tpu.memory_space<vmem>>) target_semaphore(%run_scoped3A : memref<!tpu.dma_semaphore, #tpu.memory_space<semaphore_mem>>)
      %dma_wait3A = tpu.memref_slice %arg2[%mul3A_6] : memref<700416xi32, #tpu.memory_space<hbm>> -> memref<21888xi32, #tpu.memory_space<hbm>>
      %dma_wait3A_16 = tpu.memref_slice %arg2[%mul3A_6] : memref<700416xi32, #tpu.memory_space<hbm>> -> memref<21888xi32, #tpu.memory_space<hbm>>
      tpu.wait_dma2 semaphore(%run_scoped3A : memref<!tpu.dma_semaphore, #tpu.memory_space<semaphore_mem>>) src(%dma_wait3A_16 : memref<21888xi32, #tpu.memory_space<hbm>>) dst(%arg6 : memref<21888xi32, #tpu.memory_space<vmem>>)
      tpu.yield
    }) : () -> ()
    "tpu.region"() ({
      %run_scoped3A = tpu.sem_alloc : memref<!tpu.dma_semaphore, #tpu.memory_space<semaphore_mem>>
      %dma_start3A = tpu.memref_slice %arg3[%mul3A_6] : memref<700416xf32, #tpu.memory_space<hbm>> -> memref<21888xf32, #tpu.memory_space<hbm>>
      %dma_start3A_15 = tpu.memref_slice %arg3[%mul3A_6] : memref<700416xf32, #tpu.memory_space<hbm>> -> memref<21888xf32, #tpu.memory_space<hbm>>
      tpu.enqueue_dma source(%dma_start3A_15 : memref<21888xf32, #tpu.memory_space<hbm>>) target(%arg7 : memref<21888xf32, #tpu.memory_space<vmem>>) target_semaphore(%run_scoped3A : memref<!tpu.dma_semaphore, #tpu.memory_space<semaphore_mem>>)
      %dma_wait3A = tpu.memref_slice %arg3[%mul3A_6] : memref<700416xf32, #tpu.memory_space<hbm>> -> memref<21888xf32, #tpu.memory_space<hbm>>
      %dma_wait3A_16 = tpu.memref_slice %arg3[%mul3A_6] : memref<700416xf32, #tpu.memory_space<hbm>> -> memref<21888xf32, #tpu.memory_space<hbm>>
      tpu.wait_dma2 semaphore(%run_scoped3A : memref<!tpu.dma_semaphore, #tpu.memory_space<semaphore_mem>>) src(%dma_wait3A_16 : memref<21888xf32, #tpu.memory_space<hbm>>) dst(%arg7 : memref<21888xf32, #tpu.memory_space<vmem>>)
      tpu.yield
    }) : () -> ()
    "tpu.region"() ({
      %run_scoped3A = tpu.sem_alloc : memref<!tpu.dma_semaphore, #tpu.memory_space<semaphore_mem>>
      %dma_start3A = arith.constant 0 : i32
      %dma_start3A_15 = tpu.memref_slice %arg8[%dma_start3A] : memref<236544xf32, #tpu.memory_space<vmem_shared>> -> memref<236544xf32, #tpu.memory_space<vmem_shared>>
      tpu.enqueue_indirect_dma source(%arg7 : memref<21888xf32, #tpu.memory_space<vmem>>) target(%dma_start3A_15 : memref<236544xf32, #tpu.memory_space<vmem_shared>>) offsets(%arg6 : memref<21888xi32, #tpu.memory_space<vmem>>) semaphore(%run_scoped3A : memref<!tpu.dma_semaphore, #tpu.memory_space<semaphore_mem>>) {add = true}
      %dma_wait3A = arith.constant 0 : i32
      %dma_wait3A_16 = tpu.memref_slice %arg8[%dma_wait3A] : memref<236544xf32, #tpu.memory_space<vmem_shared>> -> memref<236544xf32, #tpu.memory_space<vmem_shared>>
      tpu.wait_indirect_dma semaphore(%run_scoped3A : memref<!tpu.dma_semaphore, #tpu.memory_space<semaphore_mem>>) src(%arg7 : memref<21888xf32, #tpu.memory_space<vmem>>) dst(%dma_wait3A_16 : memref<236544xf32, #tpu.memory_space<vmem_shared>>)
      tpu.yield
    }) : () -> ()
    %barrier3A_7 = arith.constant 0 : index
    tpu.barrier barrier_id(%barrier3A_7)
    %mul3A_8 = arith.constant 14784 : i32
    %mul3A_9 = arith.muli %arg1, %mul3A_8 : i32
    "tpu.region"() ({
      %run_scoped3A = tpu.sem_alloc : memref<!tpu.dma_semaphore, #tpu.memory_space<semaphore_mem>>
      %dma_start3A = arith.constant 0 : i32
      %dma_start3A_15 = tpu.memref_slice %arg7[%dma_start3A] : memref<21888xf32, #tpu.memory_space<vmem>> -> memref<14784xf32, #tpu.memory_space<vmem>>
      %dma_start3A_16 = tpu.memref_slice %arg8[%mul3A_9] : memref<236544xf32, #tpu.memory_space<vmem_shared>> -> memref<14784xf32, #tpu.memory_space<vmem_shared>>
      %dma_start3A_17 = arith.constant 0 : i32
      %dma_start3A_18 = tpu.memref_slice %arg7[%dma_start3A_17] : memref<21888xf32, #tpu.memory_space<vmem>> -> memref<14784xf32, #tpu.memory_space<vmem>>
      %dma_start3A_19 = tpu.memref_slice %arg8[%mul3A_9] : memref<236544xf32, #tpu.memory_space<vmem_shared>> -> memref<14784xf32, #tpu.memory_space<vmem_shared>>
      tpu.enqueue_dma source(%dma_start3A_19 : memref<14784xf32, #tpu.memory_space<vmem_shared>>) target(%dma_start3A_18 : memref<14784xf32, #tpu.memory_space<vmem>>) target_semaphore(%run_scoped3A : memref<!tpu.dma_semaphore, #tpu.memory_space<semaphore_mem>>)
      %dma_wait3A = arith.constant 0 : i32
      %dma_wait3A_20 = tpu.memref_slice %arg7[%dma_wait3A] : memref<21888xf32, #tpu.memory_space<vmem>> -> memref<14784xf32, #tpu.memory_space<vmem>>
      %dma_wait3A_21 = tpu.memref_slice %arg8[%mul3A_9] : memref<236544xf32, #tpu.memory_space<vmem_shared>> -> memref<14784xf32, #tpu.memory_space<vmem_shared>>
      %dma_wait3A_22 = arith.constant 0 : i32
      %dma_wait3A_23 = tpu.memref_slice %arg7[%dma_wait3A_22] : memref<21888xf32, #tpu.memory_space<vmem>> -> memref<14784xf32, #tpu.memory_space<vmem>>
      %dma_wait3A_24 = tpu.memref_slice %arg8[%mul3A_9] : memref<236544xf32, #tpu.memory_space<vmem_shared>> -> memref<14784xf32, #tpu.memory_space<vmem_shared>>
      tpu.wait_dma2 semaphore(%run_scoped3A : memref<!tpu.dma_semaphore, #tpu.memory_space<semaphore_mem>>) src(%dma_wait3A_24 : memref<14784xf32, #tpu.memory_space<vmem_shared>>) dst(%dma_wait3A_23 : memref<14784xf32, #tpu.memory_space<vmem>>)
      tpu.yield
    }) : () -> ()
    %mul3A_10 = arith.constant 236544 : i32
    %mul3A_11 = arith.muli %arg0, %mul3A_10 : i32
    %mul3A_12 = arith.constant 14784 : i32
    %mul3A_13 = arith.muli %arg1, %mul3A_12 : i32
    %add3A_14 = arith.addi %mul3A_11, %mul3A_13 : i32
    "tpu.region"() ({
      %run_scoped3A = tpu.sem_alloc : memref<!tpu.dma_semaphore, #tpu.memory_space<semaphore_mem>>
      %dma_start3A = arith.constant 0 : i32
      %dma_start3A_15 = tpu.memref_slice %arg7[%dma_start3A] : memref<21888xf32, #tpu.memory_space<vmem>> -> memref<14784xf32, #tpu.memory_space<vmem>>
      %dma_start3A_16 = tpu.memref_slice %arg5[%add3A_14] : memref<473088xf32, #tpu.memory_space<hbm>> -> memref<14784xf32, #tpu.memory_space<hbm>>
      %dma_start3A_17 = tpu.memref_slice %arg5[%add3A_14] : memref<473088xf32, #tpu.memory_space<hbm>> -> memref<14784xf32, #tpu.memory_space<hbm>>
      %dma_start3A_18 = arith.constant 0 : i32
      %dma_start3A_19 = tpu.memref_slice %arg7[%dma_start3A_18] : memref<21888xf32, #tpu.memory_space<vmem>> -> memref<14784xf32, #tpu.memory_space<vmem>>
      tpu.enqueue_dma source(%dma_start3A_19 : memref<14784xf32, #tpu.memory_space<vmem>>) target(%dma_start3A_17 : memref<14784xf32, #tpu.memory_space<hbm>>) target_semaphore(%run_scoped3A : memref<!tpu.dma_semaphore, #tpu.memory_space<semaphore_mem>>)
      %dma_wait3A = arith.constant 0 : i32
      %dma_wait3A_20 = tpu.memref_slice %arg7[%dma_wait3A] : memref<21888xf32, #tpu.memory_space<vmem>> -> memref<14784xf32, #tpu.memory_space<vmem>>
      %dma_wait3A_21 = tpu.memref_slice %arg5[%add3A_14] : memref<473088xf32, #tpu.memory_space<hbm>> -> memref<14784xf32, #tpu.memory_space<hbm>>
      %dma_wait3A_22 = tpu.memref_slice %arg5[%add3A_14] : memref<473088xf32, #tpu.memory_space<hbm>> -> memref<14784xf32, #tpu.memory_space<hbm>>
      %dma_wait3A_23 = arith.constant 0 : i32
      %dma_wait3A_24 = tpu.memref_slice %arg7[%dma_wait3A_23] : memref<21888xf32, #tpu.memory_space<vmem>> -> memref<14784xf32, #tpu.memory_space<vmem>>
      tpu.wait_dma2 semaphore(%run_scoped3A : memref<!tpu.dma_semaphore, #tpu.memory_space<semaphore_mem>>) src(%dma_wait3A_24 : memref<14784xf32, #tpu.memory_space<vmem>>) dst(%dma_wait3A_22 : memref<14784xf32, #tpu.memory_space<hbm>>)
      tpu.yield
    }) : () -> ()
    return
  }
}

module attributes {stable_mosaic.version = 14 : i64} {
  func.func @_point_body(%arg0: i32, %arg1: memref<152x256xf32, #tpu.memory_space<vmem>>, %arg2: memref<152x256xf32, #tpu.memory_space<vmem>>, %arg3: memref<152x256xf32, #tpu.memory_space<vmem>>, %arg4: memref<152x256xf32, #tpu.memory_space<vmem>>, %arg5: memref<152x1xi32, #tpu.memory_space<vmem>>, %arg6: memref<1024x512xbf16, #tpu.memory_space<vmem>>, %arg7: memref<1024x512xbf16, #tpu.memory_space<vmem>>, %arg8: memref<1024x512xbf16, #tpu.memory_space<vmem>>, %arg9: memref<1024x512xbf16, #tpu.memory_space<vmem>>, %arg10: memref<1024x512xbf16, #tpu.memory_space<vmem>>, %arg11: memref<1024x512xbf16, #tpu.memory_space<vmem>>, %arg12: memref<1024x512xbf16, #tpu.memory_space<vmem>>, %arg13: memref<1024x512xbf16, #tpu.memory_space<vmem>>, %arg14: memref<152x512xi32, #tpu.memory_space<vmem>>, %arg15: memref<152x512xf32, #tpu.memory_space<vmem>>) attributes {dimension_semantics = [#tpu.dimension_semantics<arbitrary>], iteration_bounds = array<i64: 9>, scalar_prefetch = 0 : i64, scratch_operands = 0 : i64, tpu.core_type = #tpu.core_type<tc>, window_params = [{transform_indices = @transform_0, window_bounds = array<i64: 152, 256>}, {transform_indices = @transform_1, window_bounds = array<i64: 152, 256>}, {transform_indices = @transform_2, window_bounds = array<i64: 152, 256>}, {transform_indices = @transform_3, window_bounds = array<i64: 152, 256>}, {transform_indices = @transform_4, window_bounds = array<i64: 152, 1>}, {pipeline_mode = #tpu.pipeline_mode<synchronous>, transform_indices = @transform_5, window_bounds = array<i64: 1024, 512>}, {pipeline_mode = #tpu.pipeline_mode<synchronous>, transform_indices = @transform_6, window_bounds = array<i64: 1024, 512>}, {pipeline_mode = #tpu.pipeline_mode<synchronous>, transform_indices = @transform_7, window_bounds = array<i64: 1024, 512>}, {pipeline_mode = #tpu.pipeline_mode<synchronous>, transform_indices = @transform_8, window_bounds = array<i64: 1024, 512>}, {pipeline_mode = #tpu.pipeline_mode<synchronous>, transform_indices = @transform_9, window_bounds = array<i64: 1024, 512>}, {pipeline_mode = #tpu.pipeline_mode<synchronous>, transform_indices = @transform_10, window_bounds = array<i64: 1024, 512>}, {pipeline_mode = #tpu.pipeline_mode<synchronous>, transform_indices = @transform_11, window_bounds = array<i64: 1024, 512>}, {pipeline_mode = #tpu.pipeline_mode<synchronous>, transform_indices = @transform_12, window_bounds = array<i64: 1024, 512>}, {transform_indices = @transform_13, window_bounds = array<i64: 152, 512>}, {transform_indices = @transform_14, window_bounds = array<i64: 152, 512>}]} {
    %get3A = arith.constant 0 : index
    %get3A_0 = arith.constant 0 : index
    %get3A_1 = vector.load %arg1[%get3A, %get3A_0] : memref<152x256xf32, #tpu.memory_space<vmem>>, vector<152x256xf32>
    %get3A_2 = arith.constant 0 : index
    %get3A_3 = arith.constant 0 : index
    %get3A_4 = vector.load %arg2[%get3A_2, %get3A_3] : memref<152x256xf32, #tpu.memory_space<vmem>>, vector<152x256xf32>
    %get3A_5 = arith.constant 0 : index
    %get3A_6 = arith.constant 0 : index
    %get3A_7 = vector.load %arg3[%get3A_5, %get3A_6] : memref<152x256xf32, #tpu.memory_space<vmem>>, vector<152x256xf32>
    %get3A_8 = arith.constant 0 : index
    %get3A_9 = arith.constant 0 : index
    %get3A_10 = vector.load %arg4[%get3A_8, %get3A_9] : memref<152x256xf32, #tpu.memory_space<vmem>>, vector<152x256xf32>
    %concatenate3A = tpu.concatenate %get3A_1, %get3A_4, %get3A_7, %get3A_10 in 1 : vector<152x256xf32>, vector<152x256xf32>, vector<152x256xf32>, vector<152x256xf32> -> vector<152x1024xf32>
    %jit3A = arith.constant -1.000000e+00 : f32
    %jit3A_11 = arith.constant 1.000000e+00 : f32
    %max3A = vector.broadcast %jit3A : f32 to vector<152x1024xf32>
    %max3A_12 = arith.maximumf %max3A, %concatenate3A : vector<152x1024xf32>
    %min3A = vector.broadcast %jit3A_11 : f32 to vector<152x1024xf32>
    %min3A_13 = arith.minimumf %min3A, %max3A_12 : vector<152x1024xf32>
    %convert_element_type3A = arith.truncf %min3A_13 : vector<152x1024xf32> to vector<152x1024xbf16>
    %convert_element_type3A_14 = arith.extf %convert_element_type3A : vector<152x1024xbf16> to vector<152x1024xf32>
    %sub3A = arith.subf %min3A_13, %convert_element_type3A_14 : vector<152x1024xf32>
    %convert_element_type3A_15 = arith.truncf %sub3A : vector<152x1024xf32> to vector<152x1024xbf16>
    %get3A_16 = arith.constant 0 : index
    %get3A_17 = arith.constant 0 : index
    %get3A_18 = vector.load %arg6[%get3A_16, %get3A_17] : memref<1024x512xbf16, #tpu.memory_space<vmem>>, vector<1024x512xbf16>
    %dot_general3A = arith.constant dense<0.000000e+00> : vector<152x512xf32>
    %dot_general3A_19 = tpu.matmul %convert_element_type3A, %get3A_18, %dot_general3A {dimension_numbers = #tpu.dot_dimension_numbers<[1], [0], [0], [1], [0, 0, 1, 1], [], []>, transpose_lhs_hint = false} : vector<152x1024xbf16>, vector<1024x512xbf16>, vector<152x512xf32> -> vector<152x512xf32>
    %get3A_20 = arith.constant 0 : index
    %get3A_21 = arith.constant 0 : index
    %get3A_22 = vector.load %arg7[%get3A_20, %get3A_21] : memref<1024x512xbf16, #tpu.memory_space<vmem>>, vector<1024x512xbf16>
    %dot_general3A_23 = arith.constant dense<0.000000e+00> : vector<152x512xf32>
    %dot_general3A_24 = tpu.matmul %convert_element_type3A, %get3A_22, %dot_general3A_23 {dimension_numbers = #tpu.dot_dimension_numbers<[1], [0], [0], [1], [0, 0, 1, 1], [], []>, transpose_lhs_hint = false} : vector<152x1024xbf16>, vector<1024x512xbf16>, vector<152x512xf32> -> vector<152x512xf32>
    %get3A_25 = arith.constant 0 : index
    %get3A_26 = arith.constant 0 : index
    %get3A_27 = vector.load %arg6[%get3A_25, %get3A_26] : memref<1024x512xbf16, #tpu.memory_space<vmem>>, vector<1024x512xbf16>
    %dot_general3A_28 = arith.constant dense<0.000000e+00> : vector<152x512xf32>
    %dot_general3A_29 = tpu.matmul %convert_element_type3A_15, %get3A_27, %dot_general3A_28 {dimension_numbers = #tpu.dot_dimension_numbers<[1], [0], [0], [1], [0, 0, 1, 1], [], []>, transpose_lhs_hint = false} : vector<152x1024xbf16>, vector<1024x512xbf16>, vector<152x512xf32> -> vector<152x512xf32>
    %add3A = arith.addf %dot_general3A_24, %dot_general3A_29 : vector<152x512xf32>
    %add3A_30 = arith.addf %dot_general3A_19, %add3A : vector<152x512xf32>
    %get3A_31 = arith.constant 0 : index
    %get3A_32 = arith.constant 0 : index
    %get3A_33 = vector.load %arg8[%get3A_31, %get3A_32] : memref<1024x512xbf16, #tpu.memory_space<vmem>>, vector<1024x512xbf16>
    %dot_general3A_34 = arith.constant dense<0.000000e+00> : vector<152x512xf32>
    %dot_general3A_35 = tpu.matmul %convert_element_type3A, %get3A_33, %dot_general3A_34 {dimension_numbers = #tpu.dot_dimension_numbers<[1], [0], [0], [1], [0, 0, 1, 1], [], []>, transpose_lhs_hint = false} : vector<152x1024xbf16>, vector<1024x512xbf16>, vector<152x512xf32> -> vector<152x512xf32>
    %get3A_36 = arith.constant 0 : index
    %get3A_37 = arith.constant 0 : index
    %get3A_38 = vector.load %arg9[%get3A_36, %get3A_37] : memref<1024x512xbf16, #tpu.memory_space<vmem>>, vector<1024x512xbf16>
    %dot_general3A_39 = arith.constant dense<0.000000e+00> : vector<152x512xf32>
    %dot_general3A_40 = tpu.matmul %convert_element_type3A, %get3A_38, %dot_general3A_39 {dimension_numbers = #tpu.dot_dimension_numbers<[1], [0], [0], [1], [0, 0, 1, 1], [], []>, transpose_lhs_hint = false} : vector<152x1024xbf16>, vector<1024x512xbf16>, vector<152x512xf32> -> vector<152x512xf32>
    %get3A_41 = arith.constant 0 : index
    %get3A_42 = arith.constant 0 : index
    %get3A_43 = vector.load %arg8[%get3A_41, %get3A_42] : memref<1024x512xbf16, #tpu.memory_space<vmem>>, vector<1024x512xbf16>
    %dot_general3A_44 = arith.constant dense<0.000000e+00> : vector<152x512xf32>
    %dot_general3A_45 = tpu.matmul %convert_element_type3A_15, %get3A_43, %dot_general3A_44 {dimension_numbers = #tpu.dot_dimension_numbers<[1], [0], [0], [1], [0, 0, 1, 1], [], []>, transpose_lhs_hint = false} : vector<152x1024xbf16>, vector<1024x512xbf16>, vector<152x512xf32> -> vector<152x512xf32>
    %add3A_46 = arith.addf %dot_general3A_40, %dot_general3A_45 : vector<152x512xf32>
    %add3A_47 = arith.addf %dot_general3A_35, %add3A_46 : vector<152x512xf32>
    %get3A_48 = arith.constant 0 : index
    %get3A_49 = arith.constant 0 : index
    %get3A_50 = vector.load %arg10[%get3A_48, %get3A_49] : memref<1024x512xbf16, #tpu.memory_space<vmem>>, vector<1024x512xbf16>
    %dot_general3A_51 = arith.constant dense<0.000000e+00> : vector<152x512xf32>
    %dot_general3A_52 = tpu.matmul %convert_element_type3A, %get3A_50, %dot_general3A_51 {dimension_numbers = #tpu.dot_dimension_numbers<[1], [0], [0], [1], [0, 0, 1, 1], [], []>, transpose_lhs_hint = false} : vector<152x1024xbf16>, vector<1024x512xbf16>, vector<152x512xf32> -> vector<152x512xf32>
    %get3A_53 = arith.constant 0 : index
    %get3A_54 = arith.constant 0 : index
    %get3A_55 = vector.load %arg11[%get3A_53, %get3A_54] : memref<1024x512xbf16, #tpu.memory_space<vmem>>, vector<1024x512xbf16>
    %dot_general3A_56 = arith.constant dense<0.000000e+00> : vector<152x512xf32>
    %dot_general3A_57 = tpu.matmul %convert_element_type3A, %get3A_55, %dot_general3A_56 {dimension_numbers = #tpu.dot_dimension_numbers<[1], [0], [0], [1], [0, 0, 1, 1], [], []>, transpose_lhs_hint = false} : vector<152x1024xbf16>, vector<1024x512xbf16>, vector<152x512xf32> -> vector<152x512xf32>
    %get3A_58 = arith.constant 0 : index
    %get3A_59 = arith.constant 0 : index
    %get3A_60 = vector.load %arg10[%get3A_58, %get3A_59] : memref<1024x512xbf16, #tpu.memory_space<vmem>>, vector<1024x512xbf16>
    %dot_general3A_61 = arith.constant dense<0.000000e+00> : vector<152x512xf32>
    %dot_general3A_62 = tpu.matmul %convert_element_type3A_15, %get3A_60, %dot_general3A_61 {dimension_numbers = #tpu.dot_dimension_numbers<[1], [0], [0], [1], [0, 0, 1, 1], [], []>, transpose_lhs_hint = false} : vector<152x1024xbf16>, vector<1024x512xbf16>, vector<152x512xf32> -> vector<152x512xf32>
    %add3A_63 = arith.addf %dot_general3A_57, %dot_general3A_62 : vector<152x512xf32>
    %add3A_64 = arith.addf %dot_general3A_52, %add3A_63 : vector<152x512xf32>
    %get3A_65 = arith.constant 0 : index
    %get3A_66 = arith.constant 0 : index
    %get3A_67 = vector.load %arg12[%get3A_65, %get3A_66] : memref<1024x512xbf16, #tpu.memory_space<vmem>>, vector<1024x512xbf16>
    %dot_general3A_68 = arith.constant dense<0.000000e+00> : vector<152x512xf32>
    %dot_general3A_69 = tpu.matmul %convert_element_type3A, %get3A_67, %dot_general3A_68 {dimension_numbers = #tpu.dot_dimension_numbers<[1], [0], [0], [1], [0, 0, 1, 1], [], []>, transpose_lhs_hint = false} : vector<152x1024xbf16>, vector<1024x512xbf16>, vector<152x512xf32> -> vector<152x512xf32>
    %get3A_70 = arith.constant 0 : index
    %get3A_71 = arith.constant 0 : index
    %get3A_72 = vector.load %arg13[%get3A_70, %get3A_71] : memref<1024x512xbf16, #tpu.memory_space<vmem>>, vector<1024x512xbf16>
    %dot_general3A_73 = arith.constant dense<0.000000e+00> : vector<152x512xf32>
    %dot_general3A_74 = tpu.matmul %convert_element_type3A, %get3A_72, %dot_general3A_73 {dimension_numbers = #tpu.dot_dimension_numbers<[1], [0], [0], [1], [0, 0, 1, 1], [], []>, transpose_lhs_hint = false} : vector<152x1024xbf16>, vector<1024x512xbf16>, vector<152x512xf32> -> vector<152x512xf32>
    %get3A_75 = arith.constant 0 : index
    %get3A_76 = arith.constant 0 : index
    %get3A_77 = vector.load %arg12[%get3A_75, %get3A_76] : memref<1024x512xbf16, #tpu.memory_space<vmem>>, vector<1024x512xbf16>
    %dot_general3A_78 = arith.constant dense<0.000000e+00> : vector<152x512xf32>
    %dot_general3A_79 = tpu.matmul %convert_element_type3A_15, %get3A_77, %dot_general3A_78 {dimension_numbers = #tpu.dot_dimension_numbers<[1], [0], [0], [1], [0, 0, 1, 1], [], []>, transpose_lhs_hint = false} : vector<152x1024xbf16>, vector<1024x512xbf16>, vector<152x512xf32> -> vector<152x512xf32>
    %add3A_80 = arith.addf %dot_general3A_74, %dot_general3A_79 : vector<152x512xf32>
    %add3A_81 = arith.addf %dot_general3A_69, %add3A_80 : vector<152x512xf32>
    %mul3A = arith.mulf %add3A_30, %add3A_30 : vector<152x512xf32>
    %mul3A_82 = arith.mulf %add3A_47, %add3A_47 : vector<152x512xf32>
    %add3A_83 = arith.addf %mul3A, %mul3A_82 : vector<152x512xf32>
    %sqrt3A = math.sqrt %add3A_83 : vector<152x512xf32>
    %mul3A_84 = arith.mulf %add3A_81, %add3A_30 : vector<152x512xf32>
    %mul3A_85 = arith.mulf %add3A_64, %add3A_47 : vector<152x512xf32>
    %sub3A_86 = arith.subf %mul3A_84, %mul3A_85 : vector<152x512xf32>
    %neg3A = arith.constant 0.000000e+00 : f32
    %neg3A_87 = vector.broadcast %neg3A : f32 to vector<152x512xf32>
    %neg3A_88 = arith.subf %neg3A_87, %sub3A_86 : vector<152x512xf32>
    %max3A_89 = arith.constant 1.000000e-30 : f32
    %max3A_90 = vector.broadcast %max3A_89 : f32 to vector<152x512xf32>
    %max3A_91 = arith.maximumf %add3A_83, %max3A_90 : vector<152x512xf32>
    %div3A = arith.divf %neg3A_88, %max3A_91 : vector<152x512xf32>
    %mul3A_92 = arith.constant 3509.36646 : f32
    %mul3A_93 = vector.broadcast %mul3A_92 : f32 to vector<152x512xf32>
    %mul3A_94 = arith.mulf %div3A, %mul3A_93 : vector<152x512xf32>
    %iota3A = tpu.iota {dimensions = array<i32: 1>} : vector<1x512xi32>
    %convert_element_type3A_95 = arith.sitofp %iota3A : vector<1x512xi32> to vector<1x512xf32>
    %mul3A_96 = arith.constant 21.5332031 : f32
    %mul3A_97 = vector.broadcast %mul3A_96 : f32 to vector<1x512xf32>
    %mul3A_98 = arith.mulf %convert_element_type3A_95, %mul3A_97 : vector<1x512xf32>
    %gt3A = arith.constant 0.000000e+00 : f32
    %gt3A_99 = vector.broadcast %gt3A : f32 to vector<152x512xf32>
    %gt3A_100 = arith.cmpf ogt, %add3A_83, %gt3A_99 : vector<152x512xf32>
    %add3A_101 = vector.broadcast %mul3A_98 : vector<1x512xf32> to vector<152x512xf32>
    %add3A_102 = arith.addf %add3A_101, %mul3A_94 : vector<152x512xf32>
    %broadcast_in_dim3A = vector.shape_cast %mul3A_98 : vector<1x512xf32> to vector<1x512xf32>
    %broadcast_in_dim3A_103 = vector.broadcast %broadcast_in_dim3A : vector<1x512xf32> to vector<152x512xf32>
    %select_n3A = arith.select %gt3A_100, %add3A_102, %broadcast_in_dim3A_103 : vector<152x512xi1>, vector<152x512xf32>
    %max3A_104 = arith.constant 1.000000e-03 : f32
    %max3A_105 = vector.broadcast %max3A_104 : f32 to vector<152x512xf32>
    %max3A_106 = arith.maximumf %select_n3A, %max3A_105 : vector<152x512xf32>
    %log3A = math.log %max3A_106 : vector<152x512xf32>
    %mul3A_107 = arith.constant 17.3123398 : f32
    %mul3A_108 = vector.broadcast %mul3A_107 : f32 to vector<152x512xf32>
    %mul3A_109 = arith.mulf %log3A, %mul3A_108 : vector<152x512xf32>
    %sub3A_110 = arith.constant 56.8835373 : f32
    %sub3A_111 = vector.broadcast %sub3A_110 : f32 to vector<152x512xf32>
    %sub3A_112 = arith.subf %mul3A_109, %sub3A_111 : vector<152x512xf32>
    %floor3A = math.floor %sub3A_112 : vector<152x512xf32>
    %jit3A_113 = arith.constant 0.000000e+00 : f32
    %jit3A_114 = arith.constant 8.700000e+01 : f32
    %max3A_115 = vector.broadcast %jit3A_113 : f32 to vector<152x512xf32>
    %max3A_116 = arith.maximumf %max3A_115, %floor3A : vector<152x512xf32>
    %min3A_117 = vector.broadcast %jit3A_114 : f32 to vector<152x512xf32>
    %min3A_118 = arith.minimumf %min3A_117, %max3A_116 : vector<152x512xf32>
    %convert_element_type3A_119 = arith.fptosi %min3A_118 : vector<152x512xf32> to vector<152x512xi32>
    %ge3A = arith.constant 26.7282715 : f32
    %ge3A_120 = vector.broadcast %ge3A : f32 to vector<152x512xf32>
    %ge3A_121 = arith.cmpf oge, %select_n3A, %ge3A_120 : vector<152x512xf32>
    %le3A = arith.constant 4310.46533 : f32
    %le3A_122 = vector.broadcast %le3A : f32 to vector<152x512xf32>
    %le3A_123 = arith.cmpf ole, %select_n3A, %le3A_122 : vector<152x512xf32>
    %and3A = arith.andi %ge3A_121, %le3A_123 : vector<152x512xi1>
    %mul3A_124 = arith.constant 2688 : i32
    %mul3A_125 = vector.broadcast %mul3A_124 : i32 to vector<152x512xi32>
    %mul3A_126 = arith.muli %convert_element_type3A_119, %mul3A_125 : vector<152x512xi32>
    %get3A_127 = arith.constant 0 : index
    %get3A_128 = arith.constant 0 : index
    %get3A_129 = vector.load %arg5[%get3A_127, %get3A_128] : memref<152x1xi32, #tpu.memory_space<vmem>>, vector<152x1xi32>
    %add3A_130 = vector.broadcast %get3A_129 : vector<152x1xi32> to vector<152x512xi32>
    %add3A_131 = arith.addi %mul3A_126, %add3A_130 : vector<152x512xi32>
    %swap3A = arith.constant 0 : index
    %swap3A_132 = arith.constant 0 : index
    %swap3A_133 = vector.load %arg14[%swap3A, %swap3A_132] : memref<152x512xi32, #tpu.memory_space<vmem>>, vector<152x512xi32>
    tpu.vector_store %arg14[%swap3A, %swap3A_132], %add3A_131 {strides = array<i32>} : memref<152x512xi32, #tpu.memory_space<vmem>>, vector<152x512xi32>,
    %jit3A_134 = arith.constant 0.000000e+00 : f32
    %broadcast_in_dim3A_135 = vector.broadcast %jit3A_134 : f32 to vector<152x512xf32>
    %select_n3A_136 = arith.select %and3A, %sqrt3A, %broadcast_in_dim3A_135 : vector<152x512xi1>, vector<152x512xf32>
    %swap3A_137 = arith.constant 0 : index
    %swap3A_138 = arith.constant 0 : index
    %swap3A_139 = vector.load %arg15[%swap3A_137, %swap3A_138] : memref<152x512xf32, #tpu.memory_space<vmem>>, vector<152x512xf32>
    tpu.vector_store %arg15[%swap3A_137, %swap3A_138], %select_n3A_136 {strides = array<i32>} : memref<152x512xf32, #tpu.memory_space<vmem>>, vector<152x512xf32>,
    return
  }
  func.func @transform_0(%arg0: i32) -> (i32, i32) {
    %c0_i32 = arith.constant 0 : i32
    %c0_i32_0 = arith.constant 0 : i32
    return %arg0, %c0_i32 : i32, i32
  }
  func.func @transform_1(%arg0: i32) -> (i32, i32) {
    %c0_i32 = arith.constant 0 : i32
    %c0_i32_0 = arith.constant 0 : i32
    return %arg0, %c0_i32 : i32, i32
  }
  func.func @transform_2(%arg0: i32) -> (i32, i32) {
    %c0_i32 = arith.constant 0 : i32
    %c0_i32_0 = arith.constant 0 : i32
    return %arg0, %c0_i32 : i32, i32
  }
  func.func @transform_3(%arg0: i32) -> (i32, i32) {
    %c0_i32 = arith.constant 0 : i32
    %c0_i32_0 = arith.constant 0 : i32
    return %arg0, %c0_i32 : i32, i32
  }
  func.func @transform_4(%arg0: i32) -> (i32, i32) {
    %c0_i32 = arith.constant 0 : i32
    %c0_i32_0 = arith.constant 0 : i32
    return %arg0, %c0_i32 : i32, i32
  }
  func.func @transform_5(%arg0: i32) -> (i32, i32) {
    %c0_i32 = arith.constant 0 : i32
    %c0_i32_0 = arith.constant 0 : i32
    %c0_i32_1 = arith.constant 0 : i32
    return %c0_i32, %c0_i32_0 : i32, i32
  }
  func.func @transform_6(%arg0: i32) -> (i32, i32) {
    %c0_i32 = arith.constant 0 : i32
    %c0_i32_0 = arith.constant 0 : i32
    %c0_i32_1 = arith.constant 0 : i32
    return %c0_i32, %c0_i32_0 : i32, i32
  }
  func.func @transform_7(%arg0: i32) -> (i32, i32) {
    %c0_i32 = arith.constant 0 : i32
    %c0_i32_0 = arith.constant 0 : i32
    %c0_i32_1 = arith.constant 0 : i32
    return %c0_i32, %c0_i32_0 : i32, i32
  }
  func.func @transform_8(%arg0: i32) -> (i32, i32) {
    %c0_i32 = arith.constant 0 : i32
    %c0_i32_0 = arith.constant 0 : i32
    %c0_i32_1 = arith.constant 0 : i32
    return %c0_i32, %c0_i32_0 : i32, i32
  }
  func.func @transform_9(%arg0: i32) -> (i32, i32) {
    %c0_i32 = arith.constant 0 : i32
    %c0_i32_0 = arith.constant 0 : i32
    %c0_i32_1 = arith.constant 0 : i32
    return %c0_i32, %c0_i32_0 : i32, i32
  }
  func.func @transform_10(%arg0: i32) -> (i32, i32) {
    %c0_i32 = arith.constant 0 : i32
    %c0_i32_0 = arith.constant 0 : i32
    %c0_i32_1 = arith.constant 0 : i32
    return %c0_i32, %c0_i32_0 : i32, i32
  }
  func.func @transform_11(%arg0: i32) -> (i32, i32) {
    %c0_i32 = arith.constant 0 : i32
    %c0_i32_0 = arith.constant 0 : i32
    %c0_i32_1 = arith.constant 0 : i32
    return %c0_i32, %c0_i32_0 : i32, i32
  }
  func.func @transform_12(%arg0: i32) -> (i32, i32) {
    %c0_i32 = arith.constant 0 : i32
    %c0_i32_0 = arith.constant 0 : i32
    %c0_i32_1 = arith.constant 0 : i32
    return %c0_i32, %c0_i32_0 : i32, i32
  }
  func.func @transform_13(%arg0: i32) -> (i32, i32) {
    %c0_i32 = arith.constant 0 : i32
    %c0_i32_0 = arith.constant 0 : i32
    return %arg0, %c0_i32 : i32, i32
  }
  func.func @transform_14(%arg0: i32) -> (i32, i32) {
    %c0_i32 = arith.constant 0 : i32
    %c0_i32_0 = arith.constant 0 : i32
    return %arg0, %c0_i32 : i32, i32
  }
}

module attributes {stable_mosaic.version = 14 : i64} {
  func.func @_point_body(%arg0: i32, %arg1: memref<152x256xf32, #tpu.memory_space<vmem>>, %arg2: memref<152x256xf32, #tpu.memory_space<vmem>>, %arg3: memref<152x256xf32, #tpu.memory_space<vmem>>, %arg4: memref<152x256xf32, #tpu.memory_space<vmem>>, %arg5: memref<152x1xi32, #tpu.memory_space<vmem>>, %arg6: memref<1024x512xbf16, #tpu.memory_space<vmem>>, %arg7: memref<1024x512xbf16, #tpu.memory_space<vmem>>, %arg8: memref<1024x512xbf16, #tpu.memory_space<vmem>>, %arg9: memref<1024x512xbf16, #tpu.memory_space<vmem>>, %arg10: memref<1024x512xbf16, #tpu.memory_space<vmem>>, %arg11: memref<1024x512xbf16, #tpu.memory_space<vmem>>, %arg12: memref<1024x512xbf16, #tpu.memory_space<vmem>>, %arg13: memref<1024x512xbf16, #tpu.memory_space<vmem>>, %arg14: memref<152x512xi32, #tpu.memory_space<vmem>>, %arg15: memref<152x512xf32, #tpu.memory_space<vmem>>) attributes {dimension_semantics = [#tpu.dimension_semantics<arbitrary>], iteration_bounds = array<i64: 8>, scalar_prefetch = 0 : i64, scratch_operands = 0 : i64, tpu.core_type = #tpu.core_type<tc>, window_params = [{transform_indices = @transform_0, window_bounds = array<i64: 152, 256>}, {transform_indices = @transform_1, window_bounds = array<i64: 152, 256>}, {transform_indices = @transform_2, window_bounds = array<i64: 152, 256>}, {transform_indices = @transform_3, window_bounds = array<i64: 152, 256>}, {transform_indices = @transform_4, window_bounds = array<i64: 152, 1>}, {pipeline_mode = #tpu.pipeline_mode<synchronous>, transform_indices = @transform_5, window_bounds = array<i64: 1024, 512>}, {pipeline_mode = #tpu.pipeline_mode<synchronous>, transform_indices = @transform_6, window_bounds = array<i64: 1024, 512>}, {pipeline_mode = #tpu.pipeline_mode<synchronous>, transform_indices = @transform_7, window_bounds = array<i64: 1024, 512>}, {pipeline_mode = #tpu.pipeline_mode<synchronous>, transform_indices = @transform_8, window_bounds = array<i64: 1024, 512>}, {pipeline_mode = #tpu.pipeline_mode<synchronous>, transform_indices = @transform_9, window_bounds = array<i64: 1024, 512>}, {pipeline_mode = #tpu.pipeline_mode<synchronous>, transform_indices = @transform_10, window_bounds = array<i64: 1024, 512>}, {pipeline_mode = #tpu.pipeline_mode<synchronous>, transform_indices = @transform_11, window_bounds = array<i64: 1024, 512>}, {pipeline_mode = #tpu.pipeline_mode<synchronous>, transform_indices = @transform_12, window_bounds = array<i64: 1024, 512>}, {transform_indices = @transform_13, window_bounds = array<i64: 152, 512>}, {transform_indices = @transform_14, window_bounds = array<i64: 152, 512>}]} {
    %get3A = arith.constant 0 : index
    %get3A_0 = arith.constant 0 : index
    %get3A_1 = vector.load %arg1[%get3A, %get3A_0] : memref<152x256xf32, #tpu.memory_space<vmem>>, vector<152x256xf32>
    %get3A_2 = arith.constant 0 : index
    %get3A_3 = arith.constant 0 : index
    %get3A_4 = vector.load %arg2[%get3A_2, %get3A_3] : memref<152x256xf32, #tpu.memory_space<vmem>>, vector<152x256xf32>
    %get3A_5 = arith.constant 0 : index
    %get3A_6 = arith.constant 0 : index
    %get3A_7 = vector.load %arg3[%get3A_5, %get3A_6] : memref<152x256xf32, #tpu.memory_space<vmem>>, vector<152x256xf32>
    %get3A_8 = arith.constant 0 : index
    %get3A_9 = arith.constant 0 : index
    %get3A_10 = vector.load %arg4[%get3A_8, %get3A_9] : memref<152x256xf32, #tpu.memory_space<vmem>>, vector<152x256xf32>
    %concatenate3A = tpu.concatenate %get3A_1, %get3A_4, %get3A_7, %get3A_10 in 1 : vector<152x256xf32>, vector<152x256xf32>, vector<152x256xf32>, vector<152x256xf32> -> vector<152x1024xf32>
    %jit3A = arith.constant -1.000000e+00 : f32
    %jit3A_11 = arith.constant 1.000000e+00 : f32
    %max3A = vector.broadcast %jit3A : f32 to vector<152x1024xf32>
    %max3A_12 = arith.maximumf %max3A, %concatenate3A : vector<152x1024xf32>
    %min3A = vector.broadcast %jit3A_11 : f32 to vector<152x1024xf32>
    %min3A_13 = arith.minimumf %min3A, %max3A_12 : vector<152x1024xf32>
    %convert_element_type3A = arith.truncf %min3A_13 : vector<152x1024xf32> to vector<152x1024xbf16>
    %convert_element_type3A_14 = arith.extf %convert_element_type3A : vector<152x1024xbf16> to vector<152x1024xf32>
    %sub3A = arith.subf %min3A_13, %convert_element_type3A_14 : vector<152x1024xf32>
    %convert_element_type3A_15 = arith.truncf %sub3A : vector<152x1024xf32> to vector<152x1024xbf16>
    %get3A_16 = arith.constant 0 : index
    %get3A_17 = arith.constant 0 : index
    %get3A_18 = vector.load %arg6[%get3A_16, %get3A_17] : memref<1024x512xbf16, #tpu.memory_space<vmem>>, vector<1024x512xbf16>
    %dot_general3A = arith.constant dense<0.000000e+00> : vector<152x512xf32>
    %dot_general3A_19 = tpu.matmul %convert_element_type3A, %get3A_18, %dot_general3A {dimension_numbers = #tpu.dot_dimension_numbers<[1], [0], [0], [1], [0, 0, 1, 1], [], []>, transpose_lhs_hint = false} : vector<152x1024xbf16>, vector<1024x512xbf16>, vector<152x512xf32> -> vector<152x512xf32>
    %get3A_20 = arith.constant 0 : index
    %get3A_21 = arith.constant 0 : index
    %get3A_22 = vector.load %arg7[%get3A_20, %get3A_21] : memref<1024x512xbf16, #tpu.memory_space<vmem>>, vector<1024x512xbf16>
    %dot_general3A_23 = arith.constant dense<0.000000e+00> : vector<152x512xf32>
    %dot_general3A_24 = tpu.matmul %convert_element_type3A, %get3A_22, %dot_general3A_23 {dimension_numbers = #tpu.dot_dimension_numbers<[1], [0], [0], [1], [0, 0, 1, 1], [], []>, transpose_lhs_hint = false} : vector<152x1024xbf16>, vector<1024x512xbf16>, vector<152x512xf32> -> vector<152x512xf32>
    %get3A_25 = arith.constant 0 : index
    %get3A_26 = arith.constant 0 : index
    %get3A_27 = vector.load %arg6[%get3A_25, %get3A_26] : memref<1024x512xbf16, #tpu.memory_space<vmem>>, vector<1024x512xbf16>
    %dot_general3A_28 = arith.constant dense<0.000000e+00> : vector<152x512xf32>
    %dot_general3A_29 = tpu.matmul %convert_element_type3A_15, %get3A_27, %dot_general3A_28 {dimension_numbers = #tpu.dot_dimension_numbers<[1], [0], [0], [1], [0, 0, 1, 1], [], []>, transpose_lhs_hint = false} : vector<152x1024xbf16>, vector<1024x512xbf16>, vector<152x512xf32> -> vector<152x512xf32>
    %add3A = arith.addf %dot_general3A_24, %dot_general3A_29 : vector<152x512xf32>
    %add3A_30 = arith.addf %dot_general3A_19, %add3A : vector<152x512xf32>
    %get3A_31 = arith.constant 0 : index
    %get3A_32 = arith.constant 0 : index
    %get3A_33 = vector.load %arg8[%get3A_31, %get3A_32] : memref<1024x512xbf16, #tpu.memory_space<vmem>>, vector<1024x512xbf16>
    %dot_general3A_34 = arith.constant dense<0.000000e+00> : vector<152x512xf32>
    %dot_general3A_35 = tpu.matmul %convert_element_type3A, %get3A_33, %dot_general3A_34 {dimension_numbers = #tpu.dot_dimension_numbers<[1], [0], [0], [1], [0, 0, 1, 1], [], []>, transpose_lhs_hint = false} : vector<152x1024xbf16>, vector<1024x512xbf16>, vector<152x512xf32> -> vector<152x512xf32>
    %get3A_36 = arith.constant 0 : index
    %get3A_37 = arith.constant 0 : index
    %get3A_38 = vector.load %arg9[%get3A_36, %get3A_37] : memref<1024x512xbf16, #tpu.memory_space<vmem>>, vector<1024x512xbf16>
    %dot_general3A_39 = arith.constant dense<0.000000e+00> : vector<152x512xf32>
    %dot_general3A_40 = tpu.matmul %convert_element_type3A, %get3A_38, %dot_general3A_39 {dimension_numbers = #tpu.dot_dimension_numbers<[1], [0], [0], [1], [0, 0, 1, 1], [], []>, transpose_lhs_hint = false} : vector<152x1024xbf16>, vector<1024x512xbf16>, vector<152x512xf32> -> vector<152x512xf32>
    %get3A_41 = arith.constant 0 : index
    %get3A_42 = arith.constant 0 : index
    %get3A_43 = vector.load %arg8[%get3A_41, %get3A_42] : memref<1024x512xbf16, #tpu.memory_space<vmem>>, vector<1024x512xbf16>
    %dot_general3A_44 = arith.constant dense<0.000000e+00> : vector<152x512xf32>
    %dot_general3A_45 = tpu.matmul %convert_element_type3A_15, %get3A_43, %dot_general3A_44 {dimension_numbers = #tpu.dot_dimension_numbers<[1], [0], [0], [1], [0, 0, 1, 1], [], []>, transpose_lhs_hint = false} : vector<152x1024xbf16>, vector<1024x512xbf16>, vector<152x512xf32> -> vector<152x512xf32>
    %add3A_46 = arith.addf %dot_general3A_40, %dot_general3A_45 : vector<152x512xf32>
    %add3A_47 = arith.addf %dot_general3A_35, %add3A_46 : vector<152x512xf32>
    %get3A_48 = arith.constant 0 : index
    %get3A_49 = arith.constant 0 : index
    %get3A_50 = vector.load %arg10[%get3A_48, %get3A_49] : memref<1024x512xbf16, #tpu.memory_space<vmem>>, vector<1024x512xbf16>
    %dot_general3A_51 = arith.constant dense<0.000000e+00> : vector<152x512xf32>
    %dot_general3A_52 = tpu.matmul %convert_element_type3A, %get3A_50, %dot_general3A_51 {dimension_numbers = #tpu.dot_dimension_numbers<[1], [0], [0], [1], [0, 0, 1, 1], [], []>, transpose_lhs_hint = false} : vector<152x1024xbf16>, vector<1024x512xbf16>, vector<152x512xf32> -> vector<152x512xf32>
    %get3A_53 = arith.constant 0 : index
    %get3A_54 = arith.constant 0 : index
    %get3A_55 = vector.load %arg11[%get3A_53, %get3A_54] : memref<1024x512xbf16, #tpu.memory_space<vmem>>, vector<1024x512xbf16>
    %dot_general3A_56 = arith.constant dense<0.000000e+00> : vector<152x512xf32>
    %dot_general3A_57 = tpu.matmul %convert_element_type3A, %get3A_55, %dot_general3A_56 {dimension_numbers = #tpu.dot_dimension_numbers<[1], [0], [0], [1], [0, 0, 1, 1], [], []>, transpose_lhs_hint = false} : vector<152x1024xbf16>, vector<1024x512xbf16>, vector<152x512xf32> -> vector<152x512xf32>
    %get3A_58 = arith.constant 0 : index
    %get3A_59 = arith.constant 0 : index
    %get3A_60 = vector.load %arg10[%get3A_58, %get3A_59] : memref<1024x512xbf16, #tpu.memory_space<vmem>>, vector<1024x512xbf16>
    %dot_general3A_61 = arith.constant dense<0.000000e+00> : vector<152x512xf32>
    %dot_general3A_62 = tpu.matmul %convert_element_type3A_15, %get3A_60, %dot_general3A_61 {dimension_numbers = #tpu.dot_dimension_numbers<[1], [0], [0], [1], [0, 0, 1, 1], [], []>, transpose_lhs_hint = false} : vector<152x1024xbf16>, vector<1024x512xbf16>, vector<152x512xf32> -> vector<152x512xf32>
    %add3A_63 = arith.addf %dot_general3A_57, %dot_general3A_62 : vector<152x512xf32>
    %add3A_64 = arith.addf %dot_general3A_52, %add3A_63 : vector<152x512xf32>
    %get3A_65 = arith.constant 0 : index
    %get3A_66 = arith.constant 0 : index
    %get3A_67 = vector.load %arg12[%get3A_65, %get3A_66] : memref<1024x512xbf16, #tpu.memory_space<vmem>>, vector<1024x512xbf16>
    %dot_general3A_68 = arith.constant dense<0.000000e+00> : vector<152x512xf32>
    %dot_general3A_69 = tpu.matmul %convert_element_type3A, %get3A_67, %dot_general3A_68 {dimension_numbers = #tpu.dot_dimension_numbers<[1], [0], [0], [1], [0, 0, 1, 1], [], []>, transpose_lhs_hint = false} : vector<152x1024xbf16>, vector<1024x512xbf16>, vector<152x512xf32> -> vector<152x512xf32>
    %get3A_70 = arith.constant 0 : index
    %get3A_71 = arith.constant 0 : index
    %get3A_72 = vector.load %arg13[%get3A_70, %get3A_71] : memref<1024x512xbf16, #tpu.memory_space<vmem>>, vector<1024x512xbf16>
    %dot_general3A_73 = arith.constant dense<0.000000e+00> : vector<152x512xf32>
    %dot_general3A_74 = tpu.matmul %convert_element_type3A, %get3A_72, %dot_general3A_73 {dimension_numbers = #tpu.dot_dimension_numbers<[1], [0], [0], [1], [0, 0, 1, 1], [], []>, transpose_lhs_hint = false} : vector<152x1024xbf16>, vector<1024x512xbf16>, vector<152x512xf32> -> vector<152x512xf32>
    %get3A_75 = arith.constant 0 : index
    %get3A_76 = arith.constant 0 : index
    %get3A_77 = vector.load %arg12[%get3A_75, %get3A_76] : memref<1024x512xbf16, #tpu.memory_space<vmem>>, vector<1024x512xbf16>
    %dot_general3A_78 = arith.constant dense<0.000000e+00> : vector<152x512xf32>
    %dot_general3A_79 = tpu.matmul %convert_element_type3A_15, %get3A_77, %dot_general3A_78 {dimension_numbers = #tpu.dot_dimension_numbers<[1], [0], [0], [1], [0, 0, 1, 1], [], []>, transpose_lhs_hint = false} : vector<152x1024xbf16>, vector<1024x512xbf16>, vector<152x512xf32> -> vector<152x512xf32>
    %add3A_80 = arith.addf %dot_general3A_74, %dot_general3A_79 : vector<152x512xf32>
    %add3A_81 = arith.addf %dot_general3A_69, %add3A_80 : vector<152x512xf32>
    %mul3A = arith.mulf %add3A_30, %add3A_30 : vector<152x512xf32>
    %mul3A_82 = arith.mulf %add3A_47, %add3A_47 : vector<152x512xf32>
    %add3A_83 = arith.addf %mul3A, %mul3A_82 : vector<152x512xf32>
    %sqrt3A = math.sqrt %add3A_83 : vector<152x512xf32>
    %mul3A_84 = arith.mulf %add3A_81, %add3A_30 : vector<152x512xf32>
    %mul3A_85 = arith.mulf %add3A_64, %add3A_47 : vector<152x512xf32>
    %sub3A_86 = arith.subf %mul3A_84, %mul3A_85 : vector<152x512xf32>
    %neg3A = arith.constant 0.000000e+00 : f32
    %neg3A_87 = vector.broadcast %neg3A : f32 to vector<152x512xf32>
    %neg3A_88 = arith.subf %neg3A_87, %sub3A_86 : vector<152x512xf32>
    %max3A_89 = arith.constant 1.000000e-30 : f32
    %max3A_90 = vector.broadcast %max3A_89 : f32 to vector<152x512xf32>
    %max3A_91 = arith.maximumf %add3A_83, %max3A_90 : vector<152x512xf32>
    %div3A = arith.divf %neg3A_88, %max3A_91 : vector<152x512xf32>
    %mul3A_92 = arith.constant 3509.36646 : f32
    %mul3A_93 = vector.broadcast %mul3A_92 : f32 to vector<152x512xf32>
    %mul3A_94 = arith.mulf %div3A, %mul3A_93 : vector<152x512xf32>
    %iota3A = tpu.iota {dimensions = array<i32: 1>} : vector<1x512xi32>
    %convert_element_type3A_95 = arith.sitofp %iota3A : vector<1x512xi32> to vector<1x512xf32>
    %mul3A_96 = arith.constant 21.5332031 : f32
    %mul3A_97 = vector.broadcast %mul3A_96 : f32 to vector<1x512xf32>
    %mul3A_98 = arith.mulf %convert_element_type3A_95, %mul3A_97 : vector<1x512xf32>
    %gt3A = arith.constant 0.000000e+00 : f32
    %gt3A_99 = vector.broadcast %gt3A : f32 to vector<152x512xf32>
    %gt3A_100 = arith.cmpf ogt, %add3A_83, %gt3A_99 : vector<152x512xf32>
    %add3A_101 = vector.broadcast %mul3A_98 : vector<1x512xf32> to vector<152x512xf32>
    %add3A_102 = arith.addf %add3A_101, %mul3A_94 : vector<152x512xf32>
    %broadcast_in_dim3A = vector.shape_cast %mul3A_98 : vector<1x512xf32> to vector<1x512xf32>
    %broadcast_in_dim3A_103 = vector.broadcast %broadcast_in_dim3A : vector<1x512xf32> to vector<152x512xf32>
    %select_n3A = arith.select %gt3A_100, %add3A_102, %broadcast_in_dim3A_103 : vector<152x512xi1>, vector<152x512xf32>
    %max3A_104 = arith.constant 1.000000e-03 : f32
    %max3A_105 = vector.broadcast %max3A_104 : f32 to vector<152x512xf32>
    %max3A_106 = arith.maximumf %select_n3A, %max3A_105 : vector<152x512xf32>
    %log3A = math.log %max3A_106 : vector<152x512xf32>
    %mul3A_107 = arith.constant 17.3123398 : f32
    %mul3A_108 = vector.broadcast %mul3A_107 : f32 to vector<152x512xf32>
    %mul3A_109 = arith.mulf %log3A, %mul3A_108 : vector<152x512xf32>
    %sub3A_110 = arith.constant 56.8835373 : f32
    %sub3A_111 = vector.broadcast %sub3A_110 : f32 to vector<152x512xf32>
    %sub3A_112 = arith.subf %mul3A_109, %sub3A_111 : vector<152x512xf32>
    %floor3A = math.floor %sub3A_112 : vector<152x512xf32>
    %jit3A_113 = arith.constant 0.000000e+00 : f32
    %jit3A_114 = arith.constant 8.700000e+01 : f32
    %max3A_115 = vector.broadcast %jit3A_113 : f32 to vector<152x512xf32>
    %max3A_116 = arith.maximumf %max3A_115, %floor3A : vector<152x512xf32>
    %min3A_117 = vector.broadcast %jit3A_114 : f32 to vector<152x512xf32>
    %min3A_118 = arith.minimumf %min3A_117, %max3A_116 : vector<152x512xf32>
    %convert_element_type3A_119 = arith.fptosi %min3A_118 : vector<152x512xf32> to vector<152x512xi32>
    %ge3A = arith.constant 26.7282715 : f32
    %ge3A_120 = vector.broadcast %ge3A : f32 to vector<152x512xf32>
    %ge3A_121 = arith.cmpf oge, %select_n3A, %ge3A_120 : vector<152x512xf32>
    %le3A = arith.constant 4310.46533 : f32
    %le3A_122 = vector.broadcast %le3A : f32 to vector<152x512xf32>
    %le3A_123 = arith.cmpf ole, %select_n3A, %le3A_122 : vector<152x512xf32>
    %and3A = arith.andi %ge3A_121, %le3A_123 : vector<152x512xi1>
    %mul3A_124 = arith.constant 2688 : i32
    %mul3A_125 = vector.broadcast %mul3A_124 : i32 to vector<152x512xi32>
    %mul3A_126 = arith.muli %convert_element_type3A_119, %mul3A_125 : vector<152x512xi32>
    %get3A_127 = arith.constant 0 : index
    %get3A_128 = arith.constant 0 : index
    %get3A_129 = vector.load %arg5[%get3A_127, %get3A_128] : memref<152x1xi32, #tpu.memory_space<vmem>>, vector<152x1xi32>
    %add3A_130 = vector.broadcast %get3A_129 : vector<152x1xi32> to vector<152x512xi32>
    %add3A_131 = arith.addi %mul3A_126, %add3A_130 : vector<152x512xi32>
    %swap3A = arith.constant 0 : index
    %swap3A_132 = arith.constant 0 : index
    %swap3A_133 = vector.load %arg14[%swap3A, %swap3A_132] : memref<152x512xi32, #tpu.memory_space<vmem>>, vector<152x512xi32>
    tpu.vector_store %arg14[%swap3A, %swap3A_132], %add3A_131 {strides = array<i32>} : memref<152x512xi32, #tpu.memory_space<vmem>>, vector<152x512xi32>,
    %jit3A_134 = arith.constant 0.000000e+00 : f32
    %broadcast_in_dim3A_135 = vector.broadcast %jit3A_134 : f32 to vector<152x512xf32>
    %select_n3A_136 = arith.select %and3A, %sqrt3A, %broadcast_in_dim3A_135 : vector<152x512xi1>, vector<152x512xf32>
    %swap3A_137 = arith.constant 0 : index
    %swap3A_138 = arith.constant 0 : index
    %swap3A_139 = vector.load %arg15[%swap3A_137, %swap3A_138] : memref<152x512xf32, #tpu.memory_space<vmem>>, vector<152x512xf32>
    tpu.vector_store %arg15[%swap3A_137, %swap3A_138], %select_n3A_136 {strides = array<i32>} : memref<152x512xf32, #tpu.memory_space<vmem>>, vector<152x512xf32>,
    return
  }
  func.func @transform_0(%arg0: i32) -> (i32, i32) {
    %c0_i32 = arith.constant 0 : i32
    %c0_i32_0 = arith.constant 0 : i32
    return %arg0, %c0_i32 : i32, i32
  }
  func.func @transform_1(%arg0: i32) -> (i32, i32) {
    %c0_i32 = arith.constant 0 : i32
    %c0_i32_0 = arith.constant 0 : i32
    return %arg0, %c0_i32 : i32, i32
  }
  func.func @transform_2(%arg0: i32) -> (i32, i32) {
    %c0_i32 = arith.constant 0 : i32
    %c0_i32_0 = arith.constant 0 : i32
    return %arg0, %c0_i32 : i32, i32
  }
  func.func @transform_3(%arg0: i32) -> (i32, i32) {
    %c0_i32 = arith.constant 0 : i32
    %c0_i32_0 = arith.constant 0 : i32
    return %arg0, %c0_i32 : i32, i32
  }
  func.func @transform_4(%arg0: i32) -> (i32, i32) {
    %c0_i32 = arith.constant 0 : i32
    %c0_i32_0 = arith.constant 0 : i32
    return %arg0, %c0_i32 : i32, i32
  }
  func.func @transform_5(%arg0: i32) -> (i32, i32) {
    %c0_i32 = arith.constant 0 : i32
    %c0_i32_0 = arith.constant 0 : i32
    %c0_i32_1 = arith.constant 0 : i32
    return %c0_i32, %c0_i32_0 : i32, i32
  }
  func.func @transform_6(%arg0: i32) -> (i32, i32) {
    %c0_i32 = arith.constant 0 : i32
    %c0_i32_0 = arith.constant 0 : i32
    %c0_i32_1 = arith.constant 0 : i32
    return %c0_i32, %c0_i32_0 : i32, i32
  }
  func.func @transform_7(%arg0: i32) -> (i32, i32) {
    %c0_i32 = arith.constant 0 : i32
    %c0_i32_0 = arith.constant 0 : i32
    %c0_i32_1 = arith.constant 0 : i32
    return %c0_i32, %c0_i32_0 : i32, i32
  }
  func.func @transform_8(%arg0: i32) -> (i32, i32) {
    %c0_i32 = arith.constant 0 : i32
    %c0_i32_0 = arith.constant 0 : i32
    %c0_i32_1 = arith.constant 0 : i32
    return %c0_i32, %c0_i32_0 : i32, i32
  }
  func.func @transform_9(%arg0: i32) -> (i32, i32) {
    %c0_i32 = arith.constant 0 : i32
    %c0_i32_0 = arith.constant 0 : i32
    %c0_i32_1 = arith.constant 0 : i32
    return %c0_i32, %c0_i32_0 : i32, i32
  }
  func.func @transform_10(%arg0: i32) -> (i32, i32) {
    %c0_i32 = arith.constant 0 : i32
    %c0_i32_0 = arith.constant 0 : i32
    %c0_i32_1 = arith.constant 0 : i32
    return %c0_i32, %c0_i32_0 : i32, i32
  }
  func.func @transform_11(%arg0: i32) -> (i32, i32) {
    %c0_i32 = arith.constant 0 : i32
    %c0_i32_0 = arith.constant 0 : i32
    %c0_i32_1 = arith.constant 0 : i32
    return %c0_i32, %c0_i32_0 : i32, i32
  }
  func.func @transform_12(%arg0: i32) -> (i32, i32) {
    %c0_i32 = arith.constant 0 : i32
    %c0_i32_0 = arith.constant 0 : i32
    %c0_i32_1 = arith.constant 0 : i32
    return %c0_i32, %c0_i32_0 : i32, i32
  }
  func.func @transform_13(%arg0: i32) -> (i32, i32) {
    %c0_i32 = arith.constant 0 : i32
    %c0_i32_0 = arith.constant 0 : i32
    return %arg0, %c0_i32 : i32, i32
  }
  func.func @transform_14(%arg0: i32) -> (i32, i32) {
    %c0_i32 = arith.constant 0 : i32
    %c0_i32_0 = arith.constant 0 : i32
    return %arg0, %c0_i32 : i32, i32
  }
}

module attributes {stable_mosaic.version = 14 : i64} {
  func.func @_merge_body(%arg0: memref<2x88x2688xf32, #tpu.memory_space<vmem>>, %arg1: memref<2x88x2688xf32, #tpu.memory_space<vmem>>, %arg2: memref<88x2584xf32, #tpu.memory_space<vmem>>) attributes {dimension_semantics = [], scalar_prefetch = 0 : i64, scratch_operands = 0 : i64, tpu.core_type = #tpu.core_type<tc>} {
    %get3A = arith.constant 0 : index
    %get3A_0 = arith.constant 0 : index
    %get3A_1 = arith.constant 0 : index
    %get3A_2 = vector.load %arg0[%get3A, %get3A_0, %get3A_1] : memref<2x88x2688xf32, #tpu.memory_space<vmem>>, vector<2x88x2688xf32>
    %get3A_3 = arith.constant 0 : index
    %get3A_4 = arith.constant 0 : index
    %get3A_5 = arith.constant 0 : index
    %get3A_6 = vector.load %arg1[%get3A_3, %get3A_4, %get3A_5] : memref<2x88x2688xf32, #tpu.memory_space<vmem>>, vector<2x88x2688xf32>
    %slice3A = vector.extract_strided_slice %get3A_2 {offsets = [0, 0, 0], sizes = [1, 88, 2688], strides = [1, 1, 1]} : vector<2x88x2688xf32> to vector<1x88x2688xf32>
    %squeeze3A = vector.shape_cast %slice3A : vector<1x88x2688xf32> to vector<88x2688xf32>
    %slice3A_7 = vector.extract_strided_slice %get3A_2 {offsets = [1, 0, 0], sizes = [1, 88, 2688], strides = [1, 1, 1]} : vector<2x88x2688xf32> to vector<1x88x2688xf32>
    %squeeze3A_8 = vector.shape_cast %slice3A_7 : vector<1x88x2688xf32> to vector<88x2688xf32>
    %add3A = arith.addf %squeeze3A, %squeeze3A_8 : vector<88x2688xf32>
    %slice3A_9 = vector.extract_strided_slice %get3A_6 {offsets = [0, 0, 0], sizes = [1, 88, 2688], strides = [1, 1, 1]} : vector<2x88x2688xf32> to vector<1x88x2688xf32>
    %squeeze3A_10 = vector.shape_cast %slice3A_9 : vector<1x88x2688xf32> to vector<88x2688xf32>
    %add3A_11 = arith.addf %add3A, %squeeze3A_10 : vector<88x2688xf32>
    %slice3A_12 = vector.extract_strided_slice %get3A_6 {offsets = [1, 0, 0], sizes = [1, 88, 2688], strides = [1, 1, 1]} : vector<2x88x2688xf32> to vector<1x88x2688xf32>
    %squeeze3A_13 = vector.shape_cast %slice3A_12 : vector<1x88x2688xf32> to vector<88x2688xf32>
    %add3A_14 = arith.addf %add3A_11, %squeeze3A_13 : vector<88x2688xf32>
    %slice3A_15 = vector.extract_strided_slice %add3A_14 {offsets = [0, 0], sizes = [88, 2583], strides = [1, 1]} : vector<88x2688xf32> to vector<88x2583xf32>
    %reduce_max3A = vector.shape_cast %slice3A_15 : vector<88x2583xf32> to vector<1x88x2583xf32>
    %reduce_max3A_16 = arith.constant dense<0xFF800000> : vector<1xf32>
    %reduce_max3A_17 = vector.multi_reduction <maximumf>, %reduce_max3A, %reduce_max3A_16 [1, 2] : vector<1x88x2583xf32> to vector<1xf32>
    %reduce_max3A_18 = vector.shape_cast %reduce_max3A_17 : vector<1xf32> to vector<1x1x1xf32>
    %reduce_max3A_19 = vector.extract %reduce_max3A_18[0, 0, 0] : f32 from vector<1x1x1xf32>
    %max3A = arith.constant 9.99999996E-13 : f32
    %max3A_20 = arith.maximumf %reduce_max3A_19, %max3A : f32
    %div3A = arith.constant 1.000000e+00 : f32
    %div3A_21 = arith.divf %div3A, %max3A_20 : f32
    %slice3A_22 = vector.extract_strided_slice %slice3A_15 {offsets = [0, 2582], sizes = [88, 1], strides = [1, 1]} : vector<88x2583xf32> to vector<88x1xf32>
    %concatenate3A = tpu.concatenate %slice3A_15, %slice3A_22 in 1 : vector<88x2583xf32>, vector<88x1xf32> -> vector<88x2584xf32>
    %mul3A = vector.broadcast %div3A_21 : f32 to vector<88x2584xf32>
    %mul3A_23 = arith.mulf %concatenate3A, %mul3A : vector<88x2584xf32>
    %swap3A = arith.constant 0 : index
    %swap3A_24 = arith.constant 0 : index
    %swap3A_25 = vector.load %arg2[%swap3A, %swap3A_24] : memref<88x2584xf32, #tpu.memory_space<vmem>>, vector<88x2584xf32>
    tpu.vector_store %arg2[%swap3A, %swap3A_24], %mul3A_23 {strides = array<i32>} : memref<88x2584xf32, #tpu.memory_space<vmem>>, vector<88x2584xf32>,
    return
  }
}

</mosaic_0001>

<sc_bundles>
// kernel: kernel.10.cloned.1.call-start
scs
__scs_entry_jumppad:
0x0: {  	(pc) =	sbr.rel $0x88, $3  }
0x1: {  	(tag) =	ssettag $0x0;
	lr =	simm.s32 $0x1  }
0x2: {  	[smem:$0x3FA0] =	sst lr;
	_ =	strace $0xD0000000  }
0x3: {  	_ = 	snop  }
0x4: {  	_ = 	snop  }
0x5: {  	_ = 	snop  }
0x6: {  	_ = 	snop  }
0x7: {  	_ = 	snop  }
__scs_overlays_trampoline_lowered:
0x8: {  	[smem:$0x3FAF] =	sst s0  }
0x9: {  	[smem:$0x3FB0] =	sst s1  }
0xa: {  	[smem:$0x3FB1] =	sst s2  }
0xb: {  	[smem:$0x3FB2] =	sst s3  }
0xc: {  	[smem:$0x3FB3] =	sst s4  }
0xd: {  	[smem:$0x3FB4] =	sst s5  }
0xe: {  	[smem:$0x3FB5] =	sst s6  }
0xf: {  	[smem:$0x3FB6] =	sst s7  }
0x10: {  	[smem:$0x3FB7] =	sst s8  }
0x11: {  	[smem:$0x3FB8] =	sst s9;
	s0 =	simm.s32 @!p0 $0x0  }
0x12: {  	s1 =	sld [smem:$0x3F9E];
	s0 =	simm.s32 @p0 $0x1  }
0x13: {  	[smem:$0x3FB9] =	sst s0;
	s0 =	simm.s32 @!p1 $0x0  }
0x14: {  	s2 =	sld [smem:$0x3F9D];
	s0 =	simm.s32 @p1 $0x1  }
0x15: {  	[smem:$0x3FBA] =	sst s0;
	s0 =	simm.s32 @!p2 $0x0  }
0x16: {  	s3 =	sld [smem:$0x3FDB];
	s0 =	simm.s32 @p2 $0x1  }
0x17: {  	s4 =	simm.s32 $0x1BF5;
	[smem:$0x3FBC] =	sst s0  }
0x18: {  	s0 =	sld [smem:$0x3F9F];
	_ =	swait.ge [sflag:s4], $0x0  }
0x19: {  	s7 =	sld [smem:$0x3FA0]  }
0x1a: {  	s8 =	sadd.s32 $0xFFFFE003, lr  }
0x1b: {  	s9 =	sadd.s32 $0xFFFFFEF7, lr;
	s5 =	simm.s32 $0xFFFFFFFF;
	p2 =	slt.u32 s8, $0xFFFFF086  }
0x1c: {  	p1 =	slt.u32 s9, $0xF7A;
	s5 =	simm.s32 @!p2 $0x0  }
0x1d: {  	s5 =	simm.s32 @p1 $0x1;
	p0 =	seq.s32 s7, s2  }
0x1e: {  	s7 =	smul.u32 @!p0 $0xF7A, s2;
	p2 =	seq.s32 @!p0 s5, $0x0  }
0x1f: {  	s9 =	smul.u32 $0xF7A, s1;
	s8 =	simm.s32 @!p0 $0x1BF5;
	p2 =	por !p2, p0  }
0x20: {  	[sflag:s8] =	ssyncset.s32 @!p0 $0xFFFFF086;
	s6 =	sadd.s32 @!p0 s3, s7;
	s7 =	simm.s32 @!p0 $0x108  }
0x21: {  	s3 =	sadd.s32 s3, s9;
	s6 =	sadd.s32 @!p0 $0x88, s6;
	s7 =	simm.s32 @p2 $0x1082  }
0x22: {  	[simem:s7], [sflag:s8] =	dma.local @!p0 [hbm:s6], $0xF7A  }
0x23: {  	s9 =	sor.u32 $0xD0000000, s2;
	s6 =	simm.s32 $0x108;
	_ =	swait.ge @!p0 [sflag:s8], $0x0  }
0x24: {  	s3 =	sadd.s32 $0x88, s3;
	s6 =	simm.s32 @!p1 $0x1082;
	[sflag:s4] =	ssyncset.s32 $0xFFFFF086  }
0x25: {  	[simem:s6], [sflag:s4] =	dma.local [hbm:s3], $0xF7A  }
0x26: {  	[smem:$0x3FA0] =	sst s1;
	(tag) =	ssettag s2;
	_ =	strace s9  }
0x27: {  	s1 =	sld [smem:$0x3FB0]  }
0x28: {  	s2 =	sld [smem:$0x3FB1]  }
0x29: {  	s4 =	sld [smem:$0x3FB3]  }
0x2a: {  	p0 =	seq.s32 s5, $0x0;
	s5 =	sld [smem:$0x3FB4]  }
0x2b: {  	s6 =	sld [smem:$0x3FB5]  }
0x2c: {  	s7 =	sld [smem:$0x3FB6]  }
0x2d: {  	s3 =	simm.s32 $0x108;
	s8 =	sld [smem:$0x3FB7]  }
0x2e: {  	s3 =	simm.s32 @!p0 $0x1082;
	s9 =	sld [smem:$0x3FB8]  }
0x2f: {  	lr =	sadd.s32 s0, s3;
	s0 =	sld [smem:$0x3FAF]  }
0x30: {  	s3 =	sld [smem:$0x3FB2]  }
0x31: {  	[smem:$0x3FBB] =	sst s10  }
0x32: {  	s10 =	sld [smem:$0x3FB9];
	_ =	sdelay $0x3  }
0x33: {  	p0 =	seq.s32 s10, $0x1;
	s10 =	sld [smem:$0x3FBB];
	_ =	sdelay $0x3  }
0x34: {  	[smem:$0x3FBB] =	sst s10  }
0x35: {  	s10 =	sld [smem:$0x3FBA];
	_ =	sdelay $0x3  }
0x36: {  	p1 =	seq.s32 s10, $0x1;
	s10 =	sld [smem:$0x3FBB];
	_ =	sdelay $0x3  }
0x37: {  	[smem:$0x3FBB] =	sst s10  }
0x38: {  	s10 =	sld [smem:$0x3FBC]  }
0x39: {  	_ = 	snop;
	(pc) =	sbr.ind lr, $3  }
0x3a: {  	_ = 	snop  }
0x3b: {  	_ = 	snop  }
0x3c: {  	p2 =	seq.s32 s10, $0x1;
	s10 =	sld [smem:$0x3FBB]  }
0x3d: {  	_ =	shalt  }
0x3e: {  	_ =	shalt  }
0x3f: {  	_ =	shalt  }
0x40: {  	_ =	shalt  }
0x41: {  	_ =	shalt  }
0x42: {  	_ =	shalt  }
0x43: {  	_ =	shalt  }
0x44: {  	_ =	shalt  }
0x45: {  	_ =	shalt  }
0x46: {  	_ =	shalt  }
0x47: {  	_ =	shalt  }
0x48: {  	_ =	shalt  }
0x49: {  	_ =	shalt  }
0x4a: {  	_ =	shalt  }
0x4b: {  	_ =	shalt  }
0x4c: {  	_ =	shalt  }
0x4d: {  	_ =	shalt  }
0x4e: {  	_ =	shalt  }
0x4f: {  	_ =	shalt  }
0x50: {  	_ =	shalt  }
0x51: {  	_ =	shalt  }
0x52: {  	_ =	shalt  }
0x53: {  	_ =	shalt  }
0x54: {  	_ =	shalt  }
0x55: {  	_ =	shalt  }
0x56: {  	_ =	shalt  }
0x57: {  	_ =	shalt  }
0x58: {  	_ =	shalt  }
0x59: {  	_ =	shalt  }
0x5a: {  	_ =	shalt  }
0x5b: {  	_ =	shalt  }
0x5c: {  	_ =	shalt  }
0x5d: {  	_ =	shalt  }
0x5e: {  	_ =	shalt  }
0x5f: {  	_ =	shalt  }
0x60: {  	_ =	shalt  }
0x61: {  	_ =	shalt  }
0x62: {  	_ =	shalt  }
0x63: {  	_ =	shalt  }
0x64: {  	_ =	shalt  }
0x65: {  	_ =	shalt  }
0x66: {  	_ =	shalt  }
0x67: {  	_ =	shalt  }
0x68: {  	_ =	shalt  }
0x69: {  	_ =	shalt  }
0x6a: {  	_ =	shalt  }
0x6b: {  	_ =	shalt  }
0x6c: {  	_ =	shalt  }
0x6d: {  	_ =	shalt  }
0x6e: {  	_ =	shalt  }
0x6f: {  	_ =	shalt  }
0x70: {  	_ =	shalt  }
0x71: {  	_ =	shalt  }
0x72: {  	_ =	shalt  }
0x73: {  	_ =	shalt  }
0x74: {  	_ =	shalt  }
0x75: {  	_ =	shalt  }
0x76: {  	_ =	shalt  }
0x77: {  	_ =	shalt  }
0x78: {  	_ =	shalt  }
0x79: {  	_ =	shalt  }
0x7a: {  	_ =	shalt  }
0x7b: {  	_ =	shalt  }
0x7c: {  	_ =	shalt  }
0x7d: {  	_ =	shalt  }
0x7e: {  	_ =	shalt  }
0x7f: {  	_ =	shalt  }
0x80: {  	_ =	shalt  }
0x81: {  	_ =	shalt  }
0x82: {  	_ =	shalt  }
0x83: {  	_ =	shalt  }
0x84: {  	_ =	shalt  }
0x85: {  	_ =	shalt  }
0x86: {  	_ =	shalt  }
0x87: {  	_ =	shalt  }
.Lfunc_end0:
.L_simem_size_0:
called_computation.1_lowered:
.L_overlay_start_0:
0x88: {  	s2 =	sld [smem:$0x3FD9]  }
0x89: {  	s3 =	sld [smem:$0x3FFE];
	_ =	sdelay $0x1  }
0x8a: {  	s1 =	srdreg.scid  }
0x8b: {  	s0 =	sand.u32 $0x1, s1  }
0x8c: {  	s17 =	sshll.u32 s0, $0xA;
	s2 =	sadd.s32 s3, s2  }
0x8d: {  	s2 =	sadd.s32 s2, s17  }
0x8e: {  	[smem:$0x3FC7] =	sst s2  }
0x8f: {  	_ = 	snop  }
0x90: {  	s18 =	sld [smem:$0x3FD0];
	(tm) =	ssettm $0x1  }
0x91: {  	s19 =	sld [smem:$0x3FFB];
	_ =	sdelay $0x3  }
0x92: {  	_ =	strace s19  }
0x93: {  	s2 =	sld [smem:$0x3FFC];
	_ =	sdelay $0x3  }
0x94: {  	_ =	strace s2  }
0x95: {  	s2 =	sld [smem:$0x3FFD];
	_ =	sdelay $0x3  }
0x96: {  	_ =	strace s2  }
0x97: {  	_ =	strace $0x8FFFFFFF  }
0x98: {  	s20 =	sld [smem:$0x3FDB];
	_ =	sdelay $0x1  }
0x99: {  	s4 =	simm.s32 $_scs_section_size  }
0x9a: {  	s5 =	simm.s32 $_size__tile_overlayer_lowered;
	s6 =	simm.s32 $_tile_overlayer_lowered  }
0x9b: {  	s7 =	simm.s32 $0x1BFF;
	s21 =	sshll.u32 s6, $0x1;
	s4 =	sadd.s32 s4, s20  }
0x9c: {  	s22 =	simm.s32 $0x0;
	s5 =	sshll.u32 s5, $0x1;
	s6 =	sadd.s32 s21, s4  }
0x9d: {  	[timem:s22], [sflag:s7] =	dma.local [hbm:s6], s5  }
0x9e: {  	_ =	swait.ge [sflag:s7], s5  }
0x9f: {  	s5 =	ssub.s32 $0x0, s5;
	[sflag:s7] =	ssyncset.done $0x0  }
0xa0: {  	[sflag:s7] =	ssyncadd.s32 s5;
	_ =	sdelay $0x1  }
0xa1: {  	s23 =	simm.s32 $0x1B8B  }
0xa2: {  	_ =	swait.ge [sflag:s23], $0x1  }
0xa3: {  	[sflag:s23] =	ssyncset.done $0x0  }
0xa4: {  	[sflag:s23] =	ssyncadd.s32 $0xFFFFFFFF  }
0xa5: {  	s5 =	sld [smem:$0x0]  }
0xa6: {  	s6 =	sand.u32 $0xFFFFFFFE, s1  }
0xa7: {  	p0 =	sne.s32 s1, s6  }
0xa8: {  	s6 =	sshll.u32 @p0 s6, $0xE  }
0xa9: {  	s6 =	sadd.s32 @p0 $0x11B8D, s6;
	s7 =	sshll.u32 @p0 s5, $0x11  }
0xaa: {  	s6 =	sor.u32 @p0 s7, s6  }
0xab: {  	[sflag:s6] =	ssyncadd.remote.s32 @p0 $0x1;
	_ =	sdelay $0x1  }
0xac: {  	s6 =	simm.s32 @p0 $0x1B8D  }
0xad: {  	_ =	swait.eq @p0 [sflag:s6], $0x1  }
0xae: {  	[sflag:s6] =	ssyncadd.s32 @p0 $0xFFFFFFFF  }
0xaf: {  	s7 =	sshll.u32 @!p0 s1, $0xE  }
0xb0: {  	s7 =	sor.u32 @!p0 $0x4000, s7;
	s6 =	simm.s32 @!p0 $0x1B8D  }
0xb1: {  	s5 =	sshll.u32 @!p0 s5, $0x11;
	s7 =	sadd.s32 @!p0 $0x11B8D, s7;
	_ =	swait.eq @!p0 [sflag:s6], $0x1  }
0xb2: {  	s5 =	sor.u32 @!p0 s5, s7;
	[sflag:s6] =	ssyncadd.s32 @!p0 $0xFFFFFFFF  }
0xb3: {  	s25 =	simm.s32 $0x1B8E;
	s24 =	sld [smem:$0x3FFE];
	[sflag:s5] =	ssyncadd.remote.s32 @!p0 $0x1  }
0xb4: {  	s26 =	simm.s32 $execute0_lowered;
	[smem:$0x3FD2] =	sst s25  }
0xb5: {  	s6 =	sshll.u32 s26, $0x1;
	_ =	strace $0x80000049;
	[dreg:$0x1] =	wrdreg $0xFFFFFFFF  }
0xb6: {  	s28 =	simm.s32 $_size_execute0_lowered;
	s4 =	sadd.s32 s4, s6;
	[dreg:$0x0] =	wrdreg $0x0  }
0xb7: {  	s6 =	sshll.u32 s28, $0x1;
	[dreg:$0x2] =	wrdreg s4  }
0xb8: {  	[dreg:$0x3] =	wrdreg s6  }
0xb9: {  	[dreg:$0x4] =	wrdreg $0xC0  }
0xba: {  	_ =	task [dreg:s22], $0x5FFFF  }
0xbb: {  	[dreg:$0x1] =	wrdreg $0xFFFFFFFF  }
0xbc: {  	[dreg:$0x0] =	wrdreg $0x60  }
0xbd: {  	[dreg:$0x2] =	wrdreg s24  }
0xbe: {  	[dreg:$0x3] =	wrdreg s18  }
0xbf: {  	[dreg:$0x4] =	wrdreg $0x98000  }
0xc0: {  	[dreg:$0x5] =	wrdreg $0xA  }
0xc1: {  	_ =	task.clear_ibuf [dreg:s22], $0x6FFFF;
	_ =	strace $0x90000049  }
0xc2: {  	s29 =	simm.s32 $0xA;
	_ =	strace $0x8000004B  }
0xc3: {  	_ =	swait.ge [sflag:s29], $0x1  }
0xc4: {  	[sflag:s29] =	ssyncadd.s32 $0xFFFFFFFF  }
0xc5: {  	_ =	strace $0x9000004B  }
0xc6: {  	_ =	sfence  }
0xc7: {  	s30 =	sld [smem:$0x0];
	_ =	sdelay $0x2  }
0xc8: {  	s31 =	sshll.u32 s1, $0xD;
	s1 =	sshrl.u32 s1, $0x2  }
0xc9: {  	s4 =	sand.u32 $0x4000, s31;
	s1 =	sadd.s32 s1, s30  }
0xca: {  	s0 =	sor.u32 s4, s0;
	s1 =	sshll.u32 s1, $0x11  }
0xcb: {  	s0 =	sor.u32 s1, s0  }
0xcc: {  	s0 =	sadd.s32 $0x8F2B, s0  }
0xcd: {  	[sflag:s0] =	ssyncadd.remote.s32 $0x1  }
0xce: {  	_ =	sfence.sel $0xFFFF  }
0xcf: {  	[dreg:$0x0] =	wrdreg $0xFFFFFFFF;
	(pc) =	sbr.abs _section_cstart, $3  }
0xd0: {  	[dreg:$0x1] =	wrdreg $0xFFFFFFFF  }
0xd1: {  	_ =	task.clear_ibuf [dreg:s22], $0x2FFFF;
	_ =	strace $0x9FFFFFFF  }
0xd2: {  	(tm) =	ssettm $0x7FFFFFFF  }
0xd3: {  	_ =	shalt  }
tec
execute0_lowered:
.L_overlay_start_1:
0x0: {  	(tag) =	ssettag $0x1  }
0x1: {  	s10 =	rddreg [dreg:$0x0]  }
0x2: {  	s4 =	rddreg [dreg:$0x1];
	s1 =	stileid.u32  }
0x3: {  	s2 =	rddreg [dreg:$0x2];
	s11 =	smul.u32 $0x39C0, s1  }
0x4: {  	s0 =	rddreg [dreg:$0x3];
	s3 =	simm.s32 $0x0  }
0x5: {  	s6 =	simm.s32 $0x4C00;
	[smem:$0x7FF] =	sst s3;
	s5 =	sshrl.u32 s11, $0x3  }
0x6: {  	_ =	strace $0x8000004A;
	s4 =	sadd.s32 s4, s5;
	s5 =	simm.s32 $0x1  }
0x7: {  	[tilespmem:s6], [sflag:$0x1] =	stream.linear.gather [hbm4b:s4+s3], $0x39C0, $0x38;
	[tilespmem:$0xD1C0] =	vst v63  }
0x8: {  	s7 =	srdreg.scid;
	_ =	swait.ge [sflag:s5], $0x39C0  }
0x9: {  	s12 =	sand.u32 $0x1, s7;
	s29 =	sshll.u32 s1, $0x1;
	[sflag:s5] =	ssyncset.done $0x0  }
0xa: {  	s8 =	sor.u32 s12, s29;
	s7 =	sadd.s32 s11, s2;
	[sflag:s5] =	ssyncadd.s32 $0xFFFFC640  }
0xb: {  	[spmem:s7] =	stream.linear.scatter [tilespmem:s6], [sflag:$0x1], $0x39C0, $0x38;
	[tilespmem:$0xD1C0] =	vst v63  }
0xc: {  	s8 =	smul.u32 $0x980, s8;
	_ =	swait.ge [sflag:s5], $0x39C0  }
0xd: {  	[sflag:s5] =	ssyncset.done $0x0  }
0xe: {  	s9 =	sadd.s32 s8, s10;
	[sflag:s5] =	ssyncadd.s32 $0xFFFFC640  }
0xf: {  	s8 =	sadd.s32 $0x3BA00, s9;
	[bflag:$0x0] =	sbarrier.arrive $0xFFFF  }
0x10: {  	[tilespmem:s3], [sflag:$0x1] =	stream.linear.gather [hbm4b:s8+s3], $0x4C00, $0x38;
	[tilespmem:$0xD1C0] =	vst v63  }
0x11: {  	_ =	swait.ge [sflag:s5], $0x4C00  }
0x12: {  	[sflag:s5] =	ssyncset.done $0x0  }
0x13: {  	s9 =	sadd.s32 $0x4EA00, s9;
	[sflag:s5] =	ssyncadd.s32 $0xFFFFB400  }
0x14: {  	[tilespmem:s6], [sflag:$0x1] =	stream.linear.gather [hbm4b:s9+s3], $0x4C00, $0x38;
	[tilespmem:$0xD1C0] =	vst v63  }
0x15: {  	_ =	swait.ge [sflag:s5], $0x4C00  }
0x16: {  	[sflag:s5] =	ssyncset.done $0x0  }
0x17: {  	s13 =	smul.u32 $0x39C00, s12;
	[sflag:s5] =	ssyncadd.s32 $0xFFFFB400  }
0x18: {  	[spmem:s2] =	stream.indirect.scatter.add.f32 [tilespmem:s6], [sflag:$0x1], $0x1, s3, s6, $0xb8;
	[tilespmem:$0xD1C0] =	vst v63  }
0x19: {  	s12 =	ssub.s32 $0x2, s12;
	_ =	swait.ge [sflag:s5], $0x4C00  }
0x1a: {  	s30 =	sshrl.u32 s12, $0x1;
	s11 =	sadd.s32 s11, s13;
	[sflag:s5] =	ssyncset.done $0x0  }
0x1b: {  	s31 =	ssub.s32 s12, s30;
	s11 =	sshrl.u32 s11, $0x3;
	[sflag:s5] =	ssyncadd.s32 $0xFFFFB400  }
0x1c: {  	s10 =	sadd.s32 s11, s10;
	s11 =	smax.u32 s31, $0x1;
	[bflag:$0x0] =	sbarrier.arrive $0xFFFF  }
0x1d: {  	[tilespmem:s6], [sflag:$0x1] =	stream.linear.gather [spmem:s7], $0x39C0, $0x38;
	[tilespmem:$0xD1C0] =	vst v63  }
0x1e: {  	p0 =	sne.s32 s11, $0x1;
	_ =	swait.ge [sflag:s5], $0x39C0  }
.Ltmp0:
0x1f: {  	[sflag:s5] =	ssyncset.done $0x0;
	(pc) =	sbr.rel @!p0 .LBB2_2-.Ltmp0, $4  }
0x20: {  	s10 =	sadd.s32 $0x61A00, s10;
	[sflag:s5] =	ssyncadd.s32 $0xFFFFC640  }
0x21: {  	[hbm4b:s10+s3] =	stream.linear.scatter [tilespmem:s6], [sflag:$0x1], $0x39C0, $0x38;
	[tilespmem:$0xD1C0] =	vst v63  }
0x22: {  	_ =	swait.ge [sflag:s5], $0x39C0  }
0x23: {  	s11 =	sadd.s32 $0xFFFFFFFF, s11;
	[sflag:s5] =	ssyncset.done $0x0  }
.LBB2_1:
0x24: {  	p0 =	sne.s32 s11, $0x1;
	s11 =	sadd.s32 $0xFFFFFFFF, s11;
	[sflag:s5] =	ssyncadd.s32 $0xFFFFC640  }
0x25: {  	[tilespmem:s6], [sflag:$0x1] =	stream.linear.gather [hbm4b:s4+s3], $0x39C0, $0x38;
	[tilespmem:$0xD1C0] =	vst v63  }
0x26: {  	_ =	swait.ge [sflag:s5], $0x39C0  }
0x27: {  	[sflag:s5] =	ssyncset.done $0x0  }
0x28: {  	[sflag:s5] =	ssyncadd.s32 $0xFFFFC640  }
0x29: {  	[spmem:s7] =	stream.linear.scatter [tilespmem:s6], [sflag:$0x1], $0x39C0, $0x38;
	[tilespmem:$0xD1C0] =	vst v63  }
0x2a: {  	_ =	swait.ge [sflag:s5], $0x39C0  }
0x2b: {  	[sflag:s5] =	ssyncset.done $0x0  }
0x2c: {  	[sflag:s5] =	ssyncadd.s32 $0xFFFFC640  }
0x2d: {  	[bflag:$0x0] =	sbarrier.arrive $0xFFFF  }
0x2e: {  	[tilespmem:s3], [sflag:$0x1] =	stream.linear.gather [hbm4b:s8+s3], $0x4C00, $0x38;
	[tilespmem:$0xD1C0] =	vst v63  }
0x2f: {  	_ =	swait.ge [sflag:s5], $0x4C00  }
0x30: {  	[sflag:s5] =	ssyncset.done $0x0  }
0x31: {  	[sflag:s5] =	ssyncadd.s32 $0xFFFFB400  }
0x32: {  	[tilespmem:s6], [sflag:$0x1] =	stream.linear.gather [hbm4b:s9+s3], $0x4C00, $0x38;
	[tilespmem:$0xD1C0] =	vst v63  }
0x33: {  	_ =	swait.ge [sflag:s5], $0x4C00  }
0x34: {  	[sflag:s5] =	ssyncset.done $0x0  }
0x35: {  	[sflag:s5] =	ssyncadd.s32 $0xFFFFB400  }
0x36: {  	[spmem:s2] =	stream.indirect.scatter.add.f32 [tilespmem:s6], [sflag:$0x1], $0x1, s3, s6, $0xb8;
	[tilespmem:$0xD1C0] =	vst v63  }
0x37: {  	_ =	swait.ge [sflag:s5], $0x4C00  }
0x38: {  	[sflag:s5] =	ssyncset.done $0x0  }
0x39: {  	[sflag:s5] =	ssyncadd.s32 $0xFFFFB400  }
0x3a: {  	[bflag:$0x0] =	sbarrier.arrive $0xFFFF  }
0x3b: {  	[tilespmem:s6], [sflag:$0x1] =	stream.linear.gather [spmem:s7], $0x39C0, $0x38;
	[tilespmem:$0xD1C0] =	vst v63  }
0x3c: {  	_ =	swait.ge [sflag:s5], $0x39C0  }
.Ltmp1:
0x3d: {  	[sflag:s5] =	ssyncset.done $0x0;
	(pc) =	sbr.rel @p0 .LBB2_1-.Ltmp1, $4  }
0x3e: {  	[sflag:s5] =	ssyncadd.s32 $0xFFFFC640  }
0x3f: {  	[hbm4b:s10+s3] =	stream.linear.scatter [tilespmem:s6], [sflag:$0x1], $0x39C0, $0x38;
	[tilespmem:$0xD1C0] =	vst v63  }
0x40: {  	_ =	swait.ge [sflag:s5], $0x39C0  }
0x41: {  	[sflag:s5] =	ssyncset.done $0x0  }
.LBB2_2:
0x42: {  	[sflag:s5] =	ssyncadd.s32 $0xFFFFC640  }
0x43: {  	_ =	sfence.sel $0x180000  }
0x44: {  	[bflag:$0x0] =	sbarrier.arrive $0xFFFF  }
0x45: {  	p0 =	sne.s32 s1, $0x0;
	_ =	strace $0x9000004A  }
0x46: {  	s0 =	sadd.s32 @!p0 $0x100000, s0;
	[bflag:$0x2] =	sbarrier.arrive $0xFFFF  }
0x47: {  	[sflag:s0] =	ssyncadd.tile.s32 @!p0 $0x1;
	_ =	shalt  }
.Lfunc_end2:
_tile_overlayer_lowered:
.L_overlay_start_2:
0x48: {  	(tag) =	ssettag $0x2  }
0x49: {  	s0 =	rddreg [dreg:$0x0];
	s2 =	stileid.u32  }
0x4a: {  	s1 =	rddreg [dreg:$0x1];
	p0 =	sne.s32 s2, $0x0  }
0x4b: {  	s3 =	rddreg [dreg:$0x2];
	[bflag:$0x3] =	sbarrier.arrive $0xFFFF;
	s2 =	simm.s32 @!p0 $0x1C01  }
0x4c: {  	[timem:s3], [sflag:s2] =	dma.local @!p0 [hbm:s0], s1  }
0x4d: {  	s0 =	simm.s32 @!p0 $0x1  }
0x4e: {  	_ =	swait.ge @!p0 [sflag:s0], s1  }
0x4f: {  	s1 =	ssub.s32 @!p0 $0x0, s1;
	[sflag:s0] =	ssyncset.done @!p0 $0x0  }
0x50: {  	[sflag:s0] =	ssyncadd.s32 @!p0 s1  }
0x51: {  	[bflag:$0x3] =	sbarrier.arrive $0xFFFF  }
0x52: {  	_ =	shalt  }

// kernel: kernel.7.cloned.1.call-start
scs
__scs_entry_jumppad:
0x0: {  	(pc) =	sbr.rel $0x88, $3  }
0x1: {  	(tag) =	ssettag $0x0;
	lr =	simm.s32 $0x1  }
0x2: {  	[smem:$0x3FA0] =	sst lr;
	_ =	strace $0xD0000000  }
0x3: {  	_ = 	snop  }
0x4: {  	_ = 	snop  }
0x5: {  	_ = 	snop  }
0x6: {  	_ = 	snop  }
0x7: {  	_ = 	snop  }
__scs_overlays_trampoline_lowered:
0x8: {  	[smem:$0x3FAF] =	sst s0  }
0x9: {  	[smem:$0x3FB0] =	sst s1  }
0xa: {  	[smem:$0x3FB1] =	sst s2  }
0xb: {  	[smem:$0x3FB2] =	sst s3  }
0xc: {  	[smem:$0x3FB3] =	sst s4  }
0xd: {  	[smem:$0x3FB4] =	sst s5  }
0xe: {  	[smem:$0x3FB5] =	sst s6  }
0xf: {  	[smem:$0x3FB6] =	sst s7  }
0x10: {  	[smem:$0x3FB7] =	sst s8  }
0x11: {  	[smem:$0x3FB8] =	sst s9;
	s0 =	simm.s32 @!p0 $0x0  }
0x12: {  	s1 =	sld [smem:$0x3F9E];
	s0 =	simm.s32 @p0 $0x1  }
0x13: {  	[smem:$0x3FB9] =	sst s0;
	s0 =	simm.s32 @!p1 $0x0  }
0x14: {  	s2 =	sld [smem:$0x3F9D];
	s0 =	simm.s32 @p1 $0x1  }
0x15: {  	[smem:$0x3FBA] =	sst s0;
	s0 =	simm.s32 @!p2 $0x0  }
0x16: {  	s3 =	sld [smem:$0x3FDB];
	s0 =	simm.s32 @p2 $0x1  }
0x17: {  	s4 =	simm.s32 $0x1BF5;
	[smem:$0x3FBC] =	sst s0  }
0x18: {  	s0 =	sld [smem:$0x3F9F];
	_ =	swait.ge [sflag:s4], $0x0  }
0x19: {  	s7 =	sld [smem:$0x3FA0]  }
0x1a: {  	s8 =	sadd.s32 $0xFFFFE003, lr  }
0x1b: {  	s9 =	sadd.s32 $0xFFFFFEF7, lr;
	s5 =	simm.s32 $0xFFFFFFFF;
	p2 =	slt.u32 s8, $0xFFFFF086  }
0x1c: {  	p1 =	slt.u32 s9, $0xF7A;
	s5 =	simm.s32 @!p2 $0x0  }
0x1d: {  	s5 =	simm.s32 @p1 $0x1;
	p0 =	seq.s32 s7, s2  }
0x1e: {  	s7 =	smul.u32 @!p0 $0xF7A, s2;
	p2 =	seq.s32 @!p0 s5, $0x0  }
0x1f: {  	s9 =	smul.u32 $0xF7A, s1;
	s8 =	simm.s32 @!p0 $0x1BF5;
	p2 =	por !p2, p0  }
0x20: {  	[sflag:s8] =	ssyncset.s32 @!p0 $0xFFFFF086;
	s6 =	sadd.s32 @!p0 s3, s7;
	s7 =	simm.s32 @!p0 $0x108  }
0x21: {  	s3 =	sadd.s32 s3, s9;
	s6 =	sadd.s32 @!p0 $0x88, s6;
	s7 =	simm.s32 @p2 $0x1082  }
0x22: {  	[simem:s7], [sflag:s8] =	dma.local @!p0 [hbm:s6], $0xF7A  }
0x23: {  	s9 =	sor.u32 $0xD0000000, s2;
	s6 =	simm.s32 $0x108;
	_ =	swait.ge @!p0 [sflag:s8], $0x0  }
0x24: {  	s3 =	sadd.s32 $0x88, s3;
	s6 =	simm.s32 @!p1 $0x1082;
	[sflag:s4] =	ssyncset.s32 $0xFFFFF086  }
0x25: {  	[simem:s6], [sflag:s4] =	dma.local [hbm:s3], $0xF7A  }
0x26: {  	[smem:$0x3FA0] =	sst s1;
	(tag) =	ssettag s2;
	_ =	strace s9  }
0x27: {  	s1 =	sld [smem:$0x3FB0]  }
0x28: {  	s2 =	sld [smem:$0x3FB1]  }
0x29: {  	s4 =	sld [smem:$0x3FB3]  }
0x2a: {  	p0 =	seq.s32 s5, $0x0;
	s5 =	sld [smem:$0x3FB4]  }
0x2b: {  	s6 =	sld [smem:$0x3FB5]  }
0x2c: {  	s7 =	sld [smem:$0x3FB6]  }
0x2d: {  	s3 =	simm.s32 $0x108;
	s8 =	sld [smem:$0x3FB7]  }
0x2e: {  	s3 =	simm.s32 @!p0 $0x1082;
	s9 =	sld [smem:$0x3FB8]  }
0x2f: {  	lr =	sadd.s32 s0, s3;
	s0 =	sld [smem:$0x3FAF]  }
0x30: {  	s3 =	sld [smem:$0x3FB2]  }
0x31: {  	[smem:$0x3FBB] =	sst s10  }
0x32: {  	s10 =	sld [smem:$0x3FB9];
	_ =	sdelay $0x3  }
0x33: {  	p0 =	seq.s32 s10, $0x1;
	s10 =	sld [smem:$0x3FBB];
	_ =	sdelay $0x3  }
0x34: {  	[smem:$0x3FBB] =	sst s10  }
0x35: {  	s10 =	sld [smem:$0x3FBA];
	_ =	sdelay $0x3  }
0x36: {  	p1 =	seq.s32 s10, $0x1;
	s10 =	sld [smem:$0x3FBB];
	_ =	sdelay $0x3  }
0x37: {  	[smem:$0x3FBB] =	sst s10  }
0x38: {  	s10 =	sld [smem:$0x3FBC]  }
0x39: {  	_ = 	snop;
	(pc) =	sbr.ind lr, $3  }
0x3a: {  	_ = 	snop  }
0x3b: {  	_ = 	snop  }
0x3c: {  	p2 =	seq.s32 s10, $0x1;
	s10 =	sld [smem:$0x3FBB]  }
0x3d: {  	_ =	shalt  }
0x3e: {  	_ =	shalt  }
0x3f: {  	_ =	shalt  }
0x40: {  	_ =	shalt  }
0x41: {  	_ =	shalt  }
0x42: {  	_ =	shalt  }
0x43: {  	_ =	shalt  }
0x44: {  	_ =	shalt  }
0x45: {  	_ =	shalt  }
0x46: {  	_ =	shalt  }
0x47: {  	_ =	shalt  }
0x48: {  	_ =	shalt  }
0x49: {  	_ =	shalt  }
0x4a: {  	_ =	shalt  }
0x4b: {  	_ =	shalt  }
0x4c: {  	_ =	shalt  }
0x4d: {  	_ =	shalt  }
0x4e: {  	_ =	shalt  }
0x4f: {  	_ =	shalt  }
0x50: {  	_ =	shalt  }
0x51: {  	_ =	shalt  }
0x52: {  	_ =	shalt  }
0x53: {  	_ =	shalt  }
0x54: {  	_ =	shalt  }
0x55: {  	_ =	shalt  }
0x56: {  	_ =	shalt  }
0x57: {  	_ =	shalt  }
0x58: {  	_ =	shalt  }
0x59: {  	_ =	shalt  }
0x5a: {  	_ =	shalt  }
0x5b: {  	_ =	shalt  }
0x5c: {  	_ =	shalt  }
0x5d: {  	_ =	shalt  }
0x5e: {  	_ =	shalt  }
0x5f: {  	_ =	shalt  }
0x60: {  	_ =	shalt  }
0x61: {  	_ =	shalt  }
0x62: {  	_ =	shalt  }
0x63: {  	_ =	shalt  }
0x64: {  	_ =	shalt  }
0x65: {  	_ =	shalt  }
0x66: {  	_ =	shalt  }
0x67: {  	_ =	shalt  }
0x68: {  	_ =	shalt  }
0x69: {  	_ =	shalt  }
0x6a: {  	_ =	shalt  }
0x6b: {  	_ =	shalt  }
0x6c: {  	_ =	shalt  }
0x6d: {  	_ =	shalt  }
0x6e: {  	_ =	shalt  }
0x6f: {  	_ =	shalt  }
0x70: {  	_ =	shalt  }
0x71: {  	_ =	shalt  }
0x72: {  	_ =	shalt  }
0x73: {  	_ =	shalt  }
0x74: {  	_ =	shalt  }
0x75: {  	_ =	shalt  }
0x76: {  	_ =	shalt  }
0x77: {  	_ =	shalt  }
0x78: {  	_ =	shalt  }
0x79: {  	_ =	shalt  }
0x7a: {  	_ =	shalt  }
0x7b: {  	_ =	shalt  }
0x7c: {  	_ =	shalt  }
0x7d: {  	_ =	shalt  }
0x7e: {  	_ =	shalt  }
0x7f: {  	_ =	shalt  }
0x80: {  	_ =	shalt  }
0x81: {  	_ =	shalt  }
0x82: {  	_ =	shalt  }
0x83: {  	_ =	shalt  }
0x84: {  	_ =	shalt  }
0x85: {  	_ =	shalt  }
0x86: {  	_ =	shalt  }
0x87: {  	_ =	shalt  }
.Lfunc_end0:
.L_simem_size_0:
called_computation_lowered:
.L_overlay_start_0:
0x88: {  	s2 =	sld [smem:$0x3FD9]  }
0x89: {  	s3 =	sld [smem:$0x3FFE];
	_ =	sdelay $0x1  }
0x8a: {  	s1 =	srdreg.scid  }
0x8b: {  	s0 =	sand.u32 $0x1, s1  }
0x8c: {  	s17 =	sshll.u32 s0, $0xA;
	s2 =	sadd.s32 s3, s2  }
0x8d: {  	s2 =	sadd.s32 s2, s17  }
0x8e: {  	[smem:$0x3FC7] =	sst s2  }
0x8f: {  	_ = 	snop  }
0x90: {  	s2 =	sld [smem:$0x3FD0];
	(tm) =	ssettm $0x1  }
0x91: {  	s18 =	sld [smem:$0x3FFB];
	_ =	sdelay $0x3  }
0x92: {  	_ =	strace s18  }
0x93: {  	s3 =	sld [smem:$0x3FFC];
	_ =	sdelay $0x3  }
0x94: {  	_ =	strace s3  }
0x95: {  	s3 =	sld [smem:$0x3FFD];
	_ =	sdelay $0x3  }
0x96: {  	_ =	strace s3  }
0x97: {  	_ =	strace $0x8FFFFFFF  }
0x98: {  	s19 =	sld [smem:$0x3FDB];
	_ =	sdelay $0x1  }
0x99: {  	s4 =	simm.s32 $_scs_section_size  }
0x9a: {  	s5 =	simm.s32 $_size__tile_overlayer_lowered;
	s6 =	simm.s32 $_tile_overlayer_lowered  }
0x9b: {  	s22 =	simm.s32 $0x1BFF;
	s21 =	sshll.u32 s6, $0x1;
	s3 =	sadd.s32 s4, s19  }
0x9c: {  	s7 =	simm.s32 $0x0;
	s20 =	sshll.u32 s5, $0x1;
	s5 =	sadd.s32 s21, s3  }
0x9d: {  	[timem:s7], [sflag:s22] =	dma.local [hbm:s5], s20  }
0x9e: {  	_ =	swait.ge [sflag:s22], s20  }
0x9f: {  	s4 =	ssub.s32 $0x0, s20;
	[sflag:s22] =	ssyncset.done $0x0  }
0xa0: {  	[sflag:s22] =	ssyncadd.s32 s4;
	_ =	sdelay $0x1  }
0xa1: {  	s23 =	simm.s32 $0x1B8B  }
0xa2: {  	_ =	swait.ge [sflag:s23], $0x1  }
0xa3: {  	[sflag:s23] =	ssyncset.done $0x0  }
0xa4: {  	s25 =	simm.s32 $0x1B8E;
	s24 =	sld [smem:$0x3FFE];
	[sflag:s23] =	ssyncadd.s32 $0xFFFFFFFF  }
0xa5: {  	s26 =	simm.s32 $execute0_lowered;
	[smem:$0x3FD2] =	sst s25  }
0xa6: {  	s5 =	sshll.u32 s26, $0x1;
	_ =	strace $0x80000046;
	[dreg:$0x1] =	wrdreg $0xFFFFFFFF  }
0xa7: {  	s28 =	simm.s32 $_size_execute0_lowered;
	s3 =	sadd.s32 s3, s5;
	[dreg:$0x0] =	wrdreg $0x0  }
0xa8: {  	s5 =	sshll.u32 s28, $0x1;
	[dreg:$0x2] =	wrdreg s3  }
0xa9: {  	[dreg:$0x3] =	wrdreg s5  }
0xaa: {  	[dreg:$0x4] =	wrdreg $0xC0  }
0xab: {  	_ =	task [dreg:s7], $0x5FFFF  }
0xac: {  	[dreg:$0x1] =	wrdreg $0xFFFFFFFF  }
0xad: {  	[dreg:$0x0] =	wrdreg $0x60  }
0xae: {  	[dreg:$0x2] =	wrdreg s24  }
0xaf: {  	[dreg:$0x3] =	wrdreg s2  }
0xb0: {  	[dreg:$0x4] =	wrdreg $0xAB000  }
0xb1: {  	[dreg:$0x5] =	wrdreg $0x9  }
0xb2: {  	_ =	task.clear_ibuf [dreg:s7], $0x6FFFF;
	_ =	strace $0x90000046  }
0xb3: {  	s29 =	simm.s32 $0x9;
	_ =	strace $0x80000048  }
0xb4: {  	_ =	swait.ge [sflag:s29], $0x1  }
0xb5: {  	[sflag:s29] =	ssyncadd.s32 $0xFFFFFFFF  }
0xb6: {  	_ =	strace $0x90000048  }
0xb7: {  	_ =	sfence  }
0xb8: {  	s30 =	sld [smem:$0x0];
	_ =	sdelay $0x2  }
0xb9: {  	s31 =	sshll.u32 s1, $0xD;
	s1 =	sshrl.u32 s1, $0x2  }
0xba: {  	s3 =	sand.u32 $0x4000, s31;
	s1 =	sadd.s32 s1, s30  }
0xbb: {  	s0 =	sor.u32 s3, s0;
	s1 =	sshll.u32 s1, $0x11  }
0xbc: {  	s0 =	sor.u32 s1, s0  }
0xbd: {  	s0 =	sadd.s32 $0x8F2B, s0  }
0xbe: {  	[sflag:s0] =	ssyncadd.remote.s32 $0x1  }
0xbf: {  	_ =	sfence.sel $0xFFFF  }
0xc0: {  	[dreg:$0x0] =	wrdreg $0xFFFFFFFF;
	(pc) =	sbr.abs _section_cstart, $3  }
0xc1: {  	[dreg:$0x1] =	wrdreg $0xFFFFFFFF  }
0xc2: {  	_ =	task.clear_ibuf [dreg:s7], $0x2FFFF;
	_ =	strace $0x9FFFFFFF  }
0xc3: {  	(tm) =	ssettm $0x7FFFFFFF  }
tec
execute0_lowered:
.L_overlay_start_1:
0x0: {  	(tag) =	ssettag $0x1  }
0x1: {  	s10 =	rddreg [dreg:$0x0]  }
0x2: {  	s4 =	rddreg [dreg:$0x1];
	s1 =	stileid.u32  }
0x3: {  	s2 =	rddreg [dreg:$0x2];
	s11 =	smul.u32 $0x39C0, s1  }
0x4: {  	s0 =	rddreg [dreg:$0x3];
	s3 =	simm.s32 $0x0  }
0x5: {  	s6 =	simm.s32 $0x5580;
	[smem:$0x7FF] =	sst s3;
	s5 =	sshrl.u32 s11, $0x3  }
0x6: {  	_ =	strace $0x80000047;
	s4 =	sadd.s32 s4, s5;
	s5 =	simm.s32 $0x1  }
0x7: {  	[tilespmem:s6], [sflag:$0x1] =	stream.linear.gather [hbm4b:s4+s3], $0x39C0, $0x38;
	[tilespmem:$0xE4C0] =	vst v63  }
0x8: {  	s7 =	srdreg.scid;
	_ =	swait.ge [sflag:s5], $0x39C0  }
0x9: {  	s12 =	sand.u32 $0x1, s7;
	s29 =	sshll.u32 s1, $0x1;
	[sflag:s5] =	ssyncset.done $0x0  }
0xa: {  	s8 =	sor.u32 s12, s29;
	s7 =	sadd.s32 s11, s2;
	[sflag:s5] =	ssyncadd.s32 $0xFFFFC640  }
0xb: {  	[spmem:s7] =	stream.linear.scatter [tilespmem:s6], [sflag:$0x1], $0x39C0, $0x38;
	[tilespmem:$0xE4C0] =	vst v63  }
0xc: {  	s8 =	smul.u32 $0xAB0, s8;
	_ =	swait.ge [sflag:s5], $0x39C0  }
0xd: {  	[sflag:s5] =	ssyncset.done $0x0  }
0xe: {  	s9 =	sadd.s32 s8, s10;
	[sflag:s5] =	ssyncadd.s32 $0xFFFFC640  }
0xf: {  	s8 =	sadd.s32 $0x2600, s9;
	[bflag:$0x0] =	sbarrier.arrive $0xFFFF  }
0x10: {  	[tilespmem:s3], [sflag:$0x1] =	stream.linear.gather [hbm4b:s8+s3], $0x5580, $0x38;
	[tilespmem:$0xE4C0] =	vst v63  }
0x11: {  	_ =	swait.ge [sflag:s5], $0x5580  }
0x12: {  	[sflag:s5] =	ssyncset.done $0x0  }
0x13: {  	s9 =	sadd.s32 $0x17C00, s9;
	[sflag:s5] =	ssyncadd.s32 $0xFFFFAA80  }
0x14: {  	[tilespmem:s6], [sflag:$0x1] =	stream.linear.gather [hbm4b:s9+s3], $0x5580, $0x38;
	[tilespmem:$0xE4C0] =	vst v63  }
0x15: {  	_ =	swait.ge [sflag:s5], $0x5580  }
0x16: {  	[sflag:s5] =	ssyncset.done $0x0  }
0x17: {  	s13 =	smul.u32 $0x39C00, s12;
	[sflag:s5] =	ssyncadd.s32 $0xFFFFAA80  }
0x18: {  	[spmem:s2] =	stream.indirect.scatter.add.f32 [tilespmem:s6], [sflag:$0x1], $0x1, s3, s6, $0xb8;
	[tilespmem:$0xE4C0] =	vst v63  }
0x19: {  	s12 =	ssub.s32 $0x2, s12;
	_ =	swait.ge [sflag:s5], $0x5580  }
0x1a: {  	s30 =	sshrl.u32 s12, $0x1;
	s11 =	sadd.s32 s11, s13;
	[sflag:s5] =	ssyncset.done $0x0  }
0x1b: {  	s31 =	ssub.s32 s12, s30;
	s11 =	sshrl.u32 s11, $0x3;
	[sflag:s5] =	ssyncadd.s32 $0xFFFFAA80  }
0x1c: {  	s10 =	sadd.s32 s11, s10;
	s11 =	smax.u32 s31, $0x1;
	[bflag:$0x0] =	sbarrier.arrive $0xFFFF  }
0x1d: {  	[tilespmem:s6], [sflag:$0x1] =	stream.linear.gather [spmem:s7], $0x39C0, $0x38;
	[tilespmem:$0xE4C0] =	vst v63  }
0x1e: {  	p0 =	sne.s32 s11, $0x1;
	_ =	swait.ge [sflag:s5], $0x39C0  }
.Ltmp0:
0x1f: {  	[sflag:s5] =	ssyncset.done $0x0;
	(pc) =	sbr.rel @!p0 .LBB2_2-.Ltmp0, $4  }
0x20: {  	s10 =	sadd.s32 $0x2D200, s10;
	[sflag:s5] =	ssyncadd.s32 $0xFFFFC640  }
0x21: {  	[hbm4b:s10+s3] =	stream.linear.scatter [tilespmem:s6], [sflag:$0x1], $0x39C0, $0x38;
	[tilespmem:$0xE4C0] =	vst v63  }
0x22: {  	_ =	swait.ge [sflag:s5], $0x39C0  }
0x23: {  	s11 =	sadd.s32 $0xFFFFFFFF, s11;
	[sflag:s5] =	ssyncset.done $0x0  }
.LBB2_1:
0x24: {  	p0 =	sne.s32 s11, $0x1;
	s11 =	sadd.s32 $0xFFFFFFFF, s11;
	[sflag:s5] =	ssyncadd.s32 $0xFFFFC640  }
0x25: {  	[tilespmem:s6], [sflag:$0x1] =	stream.linear.gather [hbm4b:s4+s3], $0x39C0, $0x38;
	[tilespmem:$0xE4C0] =	vst v63  }
0x26: {  	_ =	swait.ge [sflag:s5], $0x39C0  }
0x27: {  	[sflag:s5] =	ssyncset.done $0x0  }
0x28: {  	[sflag:s5] =	ssyncadd.s32 $0xFFFFC640  }
0x29: {  	[spmem:s7] =	stream.linear.scatter [tilespmem:s6], [sflag:$0x1], $0x39C0, $0x38;
	[tilespmem:$0xE4C0] =	vst v63  }
0x2a: {  	_ =	swait.ge [sflag:s5], $0x39C0  }
0x2b: {  	[sflag:s5] =	ssyncset.done $0x0  }
0x2c: {  	[sflag:s5] =	ssyncadd.s32 $0xFFFFC640  }
0x2d: {  	[bflag:$0x0] =	sbarrier.arrive $0xFFFF  }
0x2e: {  	[tilespmem:s3], [sflag:$0x1] =	stream.linear.gather [hbm4b:s8+s3], $0x5580, $0x38;
	[tilespmem:$0xE4C0] =	vst v63  }
0x2f: {  	_ =	swait.ge [sflag:s5], $0x5580  }
0x30: {  	[sflag:s5] =	ssyncset.done $0x0  }
0x31: {  	[sflag:s5] =	ssyncadd.s32 $0xFFFFAA80  }
0x32: {  	[tilespmem:s6], [sflag:$0x1] =	stream.linear.gather [hbm4b:s9+s3], $0x5580, $0x38;
	[tilespmem:$0xE4C0] =	vst v63  }
0x33: {  	_ =	swait.ge [sflag:s5], $0x5580  }
0x34: {  	[sflag:s5] =	ssyncset.done $0x0  }
0x35: {  	[sflag:s5] =	ssyncadd.s32 $0xFFFFAA80  }
0x36: {  	[spmem:s2] =	stream.indirect.scatter.add.f32 [tilespmem:s6], [sflag:$0x1], $0x1, s3, s6, $0xb8;
	[tilespmem:$0xE4C0] =	vst v63  }
0x37: {  	_ =	swait.ge [sflag:s5], $0x5580  }
0x38: {  	[sflag:s5] =	ssyncset.done $0x0  }
0x39: {  	[sflag:s5] =	ssyncadd.s32 $0xFFFFAA80  }
0x3a: {  	[bflag:$0x0] =	sbarrier.arrive $0xFFFF  }
0x3b: {  	[tilespmem:s6], [sflag:$0x1] =	stream.linear.gather [spmem:s7], $0x39C0, $0x38;
	[tilespmem:$0xE4C0] =	vst v63  }
0x3c: {  	_ =	swait.ge [sflag:s5], $0x39C0  }
.Ltmp1:
0x3d: {  	[sflag:s5] =	ssyncset.done $0x0;
	(pc) =	sbr.rel @p0 .LBB2_1-.Ltmp1, $4  }
0x3e: {  	[sflag:s5] =	ssyncadd.s32 $0xFFFFC640  }
0x3f: {  	[hbm4b:s10+s3] =	stream.linear.scatter [tilespmem:s6], [sflag:$0x1], $0x39C0, $0x38;
	[tilespmem:$0xE4C0] =	vst v63  }
0x40: {  	_ =	swait.ge [sflag:s5], $0x39C0  }
0x41: {  	[sflag:s5] =	ssyncset.done $0x0  }
.LBB2_2:
0x42: {  	[sflag:s5] =	ssyncadd.s32 $0xFFFFC640  }
0x43: {  	_ =	sfence.sel $0x180000  }
0x44: {  	[bflag:$0x0] =	sbarrier.arrive $0xFFFF  }
0x45: {  	p0 =	sne.s32 s1, $0x0;
	_ =	strace $0x90000047  }
0x46: {  	s0 =	sadd.s32 @!p0 $0x100000, s0;
	[bflag:$0x2] =	sbarrier.arrive $0xFFFF  }
0x47: {  	[sflag:s0] =	ssyncadd.tile.s32 @!p0 $0x1;
	_ =	shalt  }
.Lfunc_end2:
_tile_overlayer_lowered:
.L_overlay_start_2:
0x48: {  	(tag) =	ssettag $0x2  }
0x49: {  	s0 =	rddreg [dreg:$0x0];
	s2 =	stileid.u32  }
0x4a: {  	s1 =	rddreg [dreg:$0x1];
	p0 =	sne.s32 s2, $0x0  }
0x4b: {  	s3 =	rddreg [dreg:$0x2];
	[bflag:$0x3] =	sbarrier.arrive $0xFFFF;
	s2 =	simm.s32 @!p0 $0x1C01  }
0x4c: {  	[timem:s3], [sflag:s2] =	dma.local @!p0 [hbm:s0], s1  }
0x4d: {  	s0 =	simm.s32 @!p0 $0x1  }
0x4e: {  	_ =	swait.ge @!p0 [sflag:s0], s1  }
0x4f: {  	s1 =	ssub.s32 @!p0 $0x0, s1;
	[sflag:s0] =	ssyncset.done @!p0 $0x0  }
0x50: {  	[sflag:s0] =	ssyncadd.s32 @!p0 s1  }
0x51: {  	[bflag:$0x3] =	sbarrier.arrive $0xFFFF  }
0x52: {  	_ =	shalt  }

</sc_bundles>
